<compile_context>
chip_gen: v7x
topology: tpu7x:2x2x1
jax: 0.10.2.dev20260603
libtpu: 0.0.44.dev20260713+nightly
codegen_flags: <defaults>
</compile_context>

<pallas_src>
import functools

import jax
import jax.numpy as jnp
from jax import lax
from jax.experimental import pallas as pl
from jax.experimental.pallas import tpu as pltpu
from jax.experimental.pallas import tpu_sc as plsc

VOCAB = 100000
D = 128
P = 20
B = 4096
S = 200
T = S - P
TP = 184

NC = 2
NS = 16
NW = NC * NS
BPW2 = 256

NBUF = 3
AHEAD = 2

_mesh = plsc.VectorSubcoreMesh(core_axis_name="c", subcore_axis_name="s")


@functools.partial(
    pl.kernel,
    mesh=_mesh,
    compiler_params=pltpu.CompilerParams(use_tc_tiling_on_sc=False),
    out_type=jax.ShapeDtypeStruct((B, S, D), jnp.float32),
    scratch_types=[
        pltpu.VMEM((BPW2, S), jnp.int32),
        pltpu.VMEM((S + 4, D), jnp.float32),
        pltpu.VMEM((S + 4, D), jnp.float32),
        pltpu.VMEM((S + 4, D), jnp.float32),
        pltpu.SemaphoreType.DMA,
        pltpu.SemaphoreType.DMA,
        pltpu.SemaphoreType.DMA,
        pltpu.SemaphoreType.DMA,
        pltpu.SemaphoreType.DMA,
        pltpu.SemaphoreType.DMA,
    ],
)
def _embed_kernel(inp_hbm, table_hbm, cp_hbm, out_hbm, idx_all,
                  buf0, buf1, buf2, gsem0, gsem1, gsem2,
                  ssem0, ssem1, ssem2):
    bufs = (buf0, buf1, buf2)
    gsems = (gsem0, gsem1, gsem2)
    ssems = (ssem0, ssem1, ssem2)
    sidx = lax.axis_index("s")
    wid = (sidx // 2) * NC + lax.axis_index("c")
    base = wid * BPW2

    @pl.when(lax.rem(sidx, 2) == 0)
    def _work():
        idx_cp = pltpu.async_copy(
            inp_hbm.at[pl.ds(base, BPW2)], idx_all, gsems[0])
        cp_cps = [pltpu.async_copy(cp_hbm, buf.at[pl.ds(0, P)], ssems[i])
                  for i, buf in enumerate(bufs)]
        idx_cp.wait()
        for c in cp_cps:
            c.wait()

        def fire_gathers(j, k):
            pltpu.async_copy(
                table_hbm.at[idx_all.at[j, pl.ds(0, 128)]],
                bufs[k].at[pl.ds(P, 128)], gsems[k],
            )
            pltpu.async_copy(
                table_hbm.at[idx_all.at[j, pl.ds(128, TP - 128)]],
                bufs[k].at[pl.ds(P + 128, TP - 128)], gsems[k],
            )

        def wait_gathers(j, k):
            pltpu.make_async_copy(
                table_hbm.at[idx_all.at[j, pl.ds(0, 128)]],
                bufs[k].at[pl.ds(P, 128)], gsems[k],
            ).wait()
            pltpu.make_async_copy(
                table_hbm.at[idx_all.at[j, pl.ds(128, TP - 128)]],
                bufs[k].at[pl.ds(P + 128, TP - 128)], gsems[k],
            ).wait()

        def wait_store(j, k):
            pltpu.make_async_copy(
                bufs[k].at[pl.ds(0, S)], out_hbm.at[base + j], ssems[k],
            ).wait()

        for j0 in range(AHEAD):
            fire_gathers(j0, j0 % NBUF)

        def body(i, carry):
            for k in range(NBUF):
                j = NBUF * i + k
                wait_gathers(j, k)
                pltpu.async_copy(
                    bufs[k].at[pl.ds(0, S)], out_hbm.at[base + j], ssems[k],
                )
                jj = j + AHEAD
                kk = (k + AHEAD) % NBUF

                @pl.when(jj < BPW2)
                def _():
                    @pl.when(jj >= NBUF)
                    def _():
                        wait_store(jj - NBUF, kk)

                    fire_gathers(jj, kk)

            return carry

        lax.fori_loop(0, BPW2 // NBUF, body, 0)

        for r in range((BPW2 // NBUF) * NBUF, BPW2):
            k = r % NBUF
            wait_gathers(r, k)
            pltpu.async_copy(
                bufs[k].at[pl.ds(0, S)], out_hbm.at[base + r], ssems[k],
            )

        for j in range(BPW2 - NBUF, BPW2):
            wait_store(j, j % NBUF)


def kernel(input, table, cp):
    return _embed_kernel(input.astype(jnp.int32), table, cp)

# --- scband reference (transcript-rebuilt; emitter-appended) ---
"""Pipeline reference for scband-prompt-input-embedding-15101105013158 (READ-ONLY COPY).

The authoritative reference and input builder live on the scoring server;
editing this copy changes nothing except your own understanding.
"""

import jax, jax.numpy as jnp
import numpy as np

VOCAB = 100000
D = 128
P = 20
B = 4096
S = 200


def setup_inputs(seed: int = 0) -> dict:
    key = jax.random.key(seed)
    k1, k2, k3 = jax.random.split(key, 3)
    # Embedding table (nn.Embedding default init ~ N(0,1); scale irrelevant to structure)
    table = jax.random.normal(k1, (VOCAB, D), dtype=jnp.float32)
    # ContinuousPrefix params: initialized as copies of random table rows
    init_idx = jax.random.randint(k2, (P,), 0, VOCAB)
    cp = jnp.take(table, init_idx, axis=0)  # [P, D]
    inp = jax.random.randint(k3, (B, S), 0, VOCAB)
    return {"input": inp, "table": table, "cp": cp}


def reference(input, table, cp):
    # _prepend_prefix: drop last P tokens, prepend prefix token ids (all zeros, none frozen yet)
    trunc = input[:, :-P]
    prefix_ids = jnp.zeros((input.shape[0], P), dtype=input.dtype)
    full = jnp.concatenate([prefix_ids, trunc], axis=1)  # [B, S]
    # embedding lookup (gather)
    embeds = jnp.take(table, full, axis=0)  # [B, S, D]
    # overwrite first P positions with continuous prefix embeddings
    # (no prefix index is frozen at init, so all P positions are overwritten)
    embeds = embeds.at[:, :P, :].set(
        jnp.broadcast_to(cp[None, :, :], (input.shape[0], P, cp.shape[1]))
    )
    return embeds

if __name__ == "__main__":
    import jax
    _d = setup_inputs()
    print(jax.jit(kernel)(*tuple(_d.values())))

</pallas_src>

<mosaic_0001>
#map = affine_map<(d0, d1) -> (0, 0)>
#map1 = affine_map<(d0, d1) -> (0, 0, 0)>
module attributes {stable_mosaic.version = 14 : i64} {
  func.func @_embed_kernel(%arg0: i32, %arg1: i32, %arg2: memref<4096x200xi32, #tpu.memory_space<hbm>>, %arg3: memref<100000x128xf32, #tpu.memory_space<hbm>>, %arg4: memref<20x128xf32, #tpu.memory_space<hbm>>, %arg5: memref<4096x200x128xf32, #tpu.memory_space<hbm>>, %arg6: memref<256x200xi32, #tpu.memory_space<vmem>>, %arg7: memref<204x128xf32, #tpu.memory_space<vmem>>, %arg8: memref<204x128xf32, #tpu.memory_space<vmem>>, %arg9: memref<204x128xf32, #tpu.memory_space<vmem>>, %arg10: memref<!tpu.dma_semaphore, #tpu.memory_space<semaphore_mem>>, %arg11: memref<!tpu.dma_semaphore, #tpu.memory_space<semaphore_mem>>, %arg12: memref<!tpu.dma_semaphore, #tpu.memory_space<semaphore_mem>>, %arg13: memref<!tpu.dma_semaphore, #tpu.memory_space<semaphore_mem>>, %arg14: memref<!tpu.dma_semaphore, #tpu.memory_space<semaphore_mem>>, %arg15: memref<!tpu.dma_semaphore, #tpu.memory_space<semaphore_mem>>) attributes {dimension_semantics = [#tpu.dimension_semantics<core_parallel>, #tpu.dimension_semantics<subcore_parallel>], iteration_bounds = array<i64: 2, 16>, scalar_prefetch = 0 : i64, scratch_operands = 10 : i64, tpu.core_type = #tpu.core_type<sc_vector_subcore>, window_params = [{transform_indices = #map}, {transform_indices = #map}, {transform_indices = #map}, {transform_indices = #map1}]} {
    %jit3A = arith.constant 2 : i32
    %div3A = arith.divsi %arg1, %jit3A : i32
    %sign3A = arith.constant 0 : i32
    %sign3A_0 = arith.cmpi sgt, %arg1, %sign3A : i32
    %sign3A_1 = arith.extui %sign3A_0 : i1 to i32
    %sign3A_2 = arith.constant 0 : i32
    %sign3A_3 = arith.cmpi slt, %arg1, %sign3A_2 : i32
    %sign3A_4 = arith.extui %sign3A_3 : i1 to i32
    %sign3A_5 = arith.subi %sign3A_1, %sign3A_4 : i32
    %sign3A_6 = arith.constant 0 : i32
    %sign3A_7 = arith.cmpi sgt, %jit3A, %sign3A_6 : i32
    %sign3A_8 = arith.extui %sign3A_7 : i1 to i32
    %sign3A_9 = arith.constant 0 : i32
    %sign3A_10 = arith.cmpi slt, %jit3A, %sign3A_9 : i32
    %sign3A_11 = arith.extui %sign3A_10 : i1 to i32
    %sign3A_12 = arith.subi %sign3A_8, %sign3A_11 : i32
    %ne3A = arith.cmpi ne, %sign3A_5, %sign3A_12 : i32
    %rem3A = arith.remsi %arg1, %jit3A : i32
    %ne3A_13 = arith.constant 0 : i32
    %ne3A_14 = arith.cmpi ne, %rem3A, %ne3A_13 : i32
    %and3A = arith.andi %ne3A, %ne3A_14 : i1
    %sub3A = arith.constant 1 : i32
    %sub3A_15 = arith.subi %div3A, %sub3A : i32
    %select_n3A = arith.select %and3A, %sub3A_15, %div3A : i32
    %mul3A = arith.constant 2 : i32
    %mul3A_16 = arith.muli %select_n3A, %mul3A : i32
    %add3A = arith.addi %mul3A_16, %arg0 : i32
    %mul3A_17 = arith.constant 256 : i32
    %mul3A_18 = arith.muli %add3A, %mul3A_17 : i32
    %rem3A_19 = arith.constant 2 : i32
    %rem3A_20 = arith.remsi %arg1, %rem3A_19 : i32
    %eq3A = arith.constant 0 : i32
    %eq3A_21 = arith.cmpi eq, %rem3A_20, %eq3A : i32
    %convert_element_type3A = arith.extui %eq3A_21 : i1 to i32
    %cond3A = arith.constant 0 : i32
    %cond3A_22 = arith.cmpi ne, %convert_element_type3A, %cond3A : i32
    scf.if %cond3A_22 {
      %dma_start3A = arith.constant 0 : i32
      %dma_start3A_23 = tpu.memref_slice %arg2[%mul3A_18, %dma_start3A] : memref<4096x200xi32, #tpu.memory_space<hbm>> -> memref<256x200xi32, #tpu.memory_space<hbm>>
      %dma_start3A_24 = arith.constant 0 : i32
      %dma_start3A_25 = tpu.memref_slice %arg2[%mul3A_18, %dma_start3A_24] : memref<4096x200xi32, #tpu.memory_space<hbm>> -> memref<256x200xi32, #tpu.memory_space<hbm>>
      tpu.enqueue_dma source(%dma_start3A_25 : memref<256x200xi32, #tpu.memory_space<hbm>>) target(%arg6 : memref<256x200xi32, #tpu.memory_space<vmem>>) target_semaphore(%arg10 : memref<!tpu.dma_semaphore, #tpu.memory_space<semaphore_mem>>)
      %dma_start3A_26 = arith.constant 0 : i32
      %dma_start3A_27 = arith.constant 0 : i32
      %dma_start3A_28 = tpu.memref_slice %arg7[%dma_start3A_26, %dma_start3A_27] : memref<204x128xf32, #tpu.memory_space<vmem>> -> memref<20x128xf32, #tpu.memory_space<vmem>>
      %dma_start3A_29 = arith.constant 0 : i32
      %dma_start3A_30 = arith.constant 0 : i32
      %dma_start3A_31 = tpu.memref_slice %arg7[%dma_start3A_29, %dma_start3A_30] : memref<204x128xf32, #tpu.memory_space<vmem>> -> memref<20x128xf32, #tpu.memory_space<vmem>>
      tpu.enqueue_dma source(%arg4 : memref<20x128xf32, #tpu.memory_space<hbm>>) target(%dma_start3A_31 : memref<20x128xf32, #tpu.memory_space<vmem>>) target_semaphore(%arg13 : memref<!tpu.dma_semaphore, #tpu.memory_space<semaphore_mem>>)
      %dma_start3A_32 = arith.constant 0 : i32
      %dma_start3A_33 = arith.constant 0 : i32
      %dma_start3A_34 = tpu.memref_slice %arg8[%dma_start3A_32, %dma_start3A_33] : memref<204x128xf32, #tpu.memory_space<vmem>> -> memref<20x128xf32, #tpu.memory_space<vmem>>
      %dma_start3A_35 = arith.constant 0 : i32
      %dma_start3A_36 = arith.constant 0 : i32
      %dma_start3A_37 = tpu.memref_slice %arg8[%dma_start3A_35, %dma_start3A_36] : memref<204x128xf32, #tpu.memory_space<vmem>> -> memref<20x128xf32, #tpu.memory_space<vmem>>
      tpu.enqueue_dma source(%arg4 : memref<20x128xf32, #tpu.memory_space<hbm>>) target(%dma_start3A_37 : memref<20x128xf32, #tpu.memory_space<vmem>>) target_semaphore(%arg14 : memref<!tpu.dma_semaphore, #tpu.memory_space<semaphore_mem>>)
      %dma_start3A_38 = arith.constant 0 : i32
      %dma_start3A_39 = arith.constant 0 : i32
      %dma_start3A_40 = tpu.memref_slice %arg9[%dma_start3A_38, %dma_start3A_39] : memref<204x128xf32, #tpu.memory_space<vmem>> -> memref<20x128xf32, #tpu.memory_space<vmem>>
      %dma_start3A_41 = arith.constant 0 : i32
      %dma_start3A_42 = arith.constant 0 : i32
      %dma_start3A_43 = tpu.memref_slice %arg9[%dma_start3A_41, %dma_start3A_42] : memref<204x128xf32, #tpu.memory_space<vmem>> -> memref<20x128xf32, #tpu.memory_space<vmem>>
      tpu.enqueue_dma source(%arg4 : memref<20x128xf32, #tpu.memory_space<hbm>>) target(%dma_start3A_43 : memref<20x128xf32, #tpu.memory_space<vmem>>) target_semaphore(%arg15 : memref<!tpu.dma_semaphore, #tpu.memory_space<semaphore_mem>>)
      %dma_wait3A = arith.constant 0 : i32
      %dma_wait3A_44 = tpu.memref_slice %arg2[%mul3A_18, %dma_wait3A] : memref<4096x200xi32, #tpu.memory_space<hbm>> -> memref<256x200xi32, #tpu.memory_space<hbm>>
      %dma_wait3A_45 = arith.constant 0 : i32
      %dma_wait3A_46 = tpu.memref_slice %arg2[%mul3A_18, %dma_wait3A_45] : memref<4096x200xi32, #tpu.memory_space<hbm>> -> memref<256x200xi32, #tpu.memory_space<hbm>>
      tpu.wait_dma2 semaphore(%arg10 : memref<!tpu.dma_semaphore, #tpu.memory_space<semaphore_mem>>) src(%dma_wait3A_46 : memref<256x200xi32, #tpu.memory_space<hbm>>) dst(%arg6 : memref<256x200xi32, #tpu.memory_space<vmem>>)
      %dma_wait3A_47 = arith.constant 0 : i32
      %dma_wait3A_48 = arith.constant 0 : i32
      %dma_wait3A_49 = tpu.memref_slice %arg7[%dma_wait3A_47, %dma_wait3A_48] : memref<204x128xf32, #tpu.memory_space<vmem>> -> memref<20x128xf32, #tpu.memory_space<vmem>>
      %dma_wait3A_50 = arith.constant 0 : i32
      %dma_wait3A_51 = arith.constant 0 : i32
      %dma_wait3A_52 = tpu.memref_slice %arg7[%dma_wait3A_50, %dma_wait3A_51] : memref<204x128xf32, #tpu.memory_space<vmem>> -> memref<20x128xf32, #tpu.memory_space<vmem>>
      tpu.wait_dma2 semaphore(%arg13 : memref<!tpu.dma_semaphore, #tpu.memory_space<semaphore_mem>>) src(%arg4 : memref<20x128xf32, #tpu.memory_space<hbm>>) dst(%dma_wait3A_52 : memref<20x128xf32, #tpu.memory_space<vmem>>)
      %dma_wait3A_53 = arith.constant 0 : i32
      %dma_wait3A_54 = arith.constant 0 : i32
      %dma_wait3A_55 = tpu.memref_slice %arg8[%dma_wait3A_53, %dma_wait3A_54] : memref<204x128xf32, #tpu.memory_space<vmem>> -> memref<20x128xf32, #tpu.memory_space<vmem>>
      %dma_wait3A_56 = arith.constant 0 : i32
      %dma_wait3A_57 = arith.constant 0 : i32
      %dma_wait3A_58 = tpu.memref_slice %arg8[%dma_wait3A_56, %dma_wait3A_57] : memref<204x128xf32, #tpu.memory_space<vmem>> -> memref<20x128xf32, #tpu.memory_space<vmem>>
      tpu.wait_dma2 semaphore(%arg14 : memref<!tpu.dma_semaphore, #tpu.memory_space<semaphore_mem>>) src(%arg4 : memref<20x128xf32, #tpu.memory_space<hbm>>) dst(%dma_wait3A_58 : memref<20x128xf32, #tpu.memory_space<vmem>>)
      %dma_wait3A_59 = arith.constant 0 : i32
      %dma_wait3A_60 = arith.constant 0 : i32
      %dma_wait3A_61 = tpu.memref_slice %arg9[%dma_wait3A_59, %dma_wait3A_60] : memref<204x128xf32, #tpu.memory_space<vmem>> -> memref<20x128xf32, #tpu.memory_space<vmem>>
      %dma_wait3A_62 = arith.constant 0 : i32
      %dma_wait3A_63 = arith.constant 0 : i32
      %dma_wait3A_64 = tpu.memref_slice %arg9[%dma_wait3A_62, %dma_wait3A_63] : memref<204x128xf32, #tpu.memory_space<vmem>> -> memref<20x128xf32, #tpu.memory_space<vmem>>
      tpu.wait_dma2 semaphore(%arg15 : memref<!tpu.dma_semaphore, #tpu.memory_space<semaphore_mem>>) src(%arg4 : memref<20x128xf32, #tpu.memory_space<hbm>>) dst(%dma_wait3A_64 : memref<20x128xf32, #tpu.memory_space<vmem>>)
      %dma_start3A_65 = arith.constant 0 : i32
      %dma_start3A_66 = arith.constant 20 : i32
      %dma_start3A_67 = arith.constant 0 : i32
      %dma_start3A_68 = tpu.memref_slice %arg7[%dma_start3A_66, %dma_start3A_67] : memref<204x128xf32, #tpu.memory_space<vmem>> -> memref<128x128xf32, #tpu.memory_space<vmem>>
      %dma_start3A_69 = arith.constant 0 : i32
      %dma_start3A_70 = tpu.memref_slice %arg6[%dma_start3A_65, %dma_start3A_69] : memref<256x200xi32, #tpu.memory_space<vmem>> -> memref<1x128xi32, #tpu.memory_space<vmem>>
      %dma_start3A_71 = tpu.memref_squeeze %dma_start3A_70 : memref<1x128xi32, #tpu.memory_space<vmem>> -> memref<128xi32, #tpu.memory_space<vmem>>
      %dma_start3A_72 = arith.constant 0 : i32
      %dma_start3A_73 = arith.constant 0 : i32
      %dma_start3A_74 = tpu.memref_slice %arg3[%dma_start3A_72, %dma_start3A_73] : memref<100000x128xf32, #tpu.memory_space<hbm>> -> memref<100000x128xf32, #tpu.memory_space<hbm>>
      tpu.enqueue_indirect_dma source(%dma_start3A_74 : memref<100000x128xf32, #tpu.memory_space<hbm>>) target(%dma_start3A_68 : memref<128x128xf32, #tpu.memory_space<vmem>>) offsets(%dma_start3A_71 : memref<128xi32, #tpu.memory_space<vmem>>) semaphore(%arg10 : memref<!tpu.dma_semaphore, #tpu.memory_space<semaphore_mem>>)
      %dma_start3A_75 = arith.constant 0 : i32
      %dma_start3A_76 = arith.constant 148 : i32
      %dma_start3A_77 = arith.constant 0 : i32
      %dma_start3A_78 = tpu.memref_slice %arg7[%dma_start3A_76, %dma_start3A_77] : memref<204x128xf32, #tpu.memory_space<vmem>> -> memref<56x128xf32, #tpu.memory_space<vmem>>
      %dma_start3A_79 = arith.constant 128 : i32
      %dma_start3A_80 = tpu.memref_slice %arg6[%dma_start3A_75, %dma_start3A_79] : memref<256x200xi32, #tpu.memory_space<vmem>> -> memref<1x56xi32, #tpu.memory_space<vmem>>
      %dma_start3A_81 = tpu.memref_squeeze %dma_start3A_80 : memref<1x56xi32, #tpu.memory_space<vmem>> -> memref<56xi32, #tpu.memory_space<vmem>>
      %dma_start3A_82 = arith.constant 0 : i32
      %dma_start3A_83 = arith.constant 0 : i32
      %dma_start3A_84 = tpu.memref_slice %arg3[%dma_start3A_82, %dma_start3A_83] : memref<100000x128xf32, #tpu.memory_space<hbm>> -> memref<100000x128xf32, #tpu.memory_space<hbm>>
      tpu.enqueue_indirect_dma source(%dma_start3A_84 : memref<100000x128xf32, #tpu.memory_space<hbm>>) target(%dma_start3A_78 : memref<56x128xf32, #tpu.memory_space<vmem>>) offsets(%dma_start3A_81 : memref<56xi32, #tpu.memory_space<vmem>>) semaphore(%arg10 : memref<!tpu.dma_semaphore, #tpu.memory_space<semaphore_mem>>)
      %dma_start3A_85 = arith.constant 1 : i32
      %dma_start3A_86 = arith.constant 20 : i32
      %dma_start3A_87 = arith.constant 0 : i32
      %dma_start3A_88 = tpu.memref_slice %arg8[%dma_start3A_86, %dma_start3A_87] : memref<204x128xf32, #tpu.memory_space<vmem>> -> memref<128x128xf32, #tpu.memory_space<vmem>>
      %dma_start3A_89 = arith.constant 0 : i32
      %dma_start3A_90 = tpu.memref_slice %arg6[%dma_start3A_85, %dma_start3A_89] : memref<256x200xi32, #tpu.memory_space<vmem>> -> memref<1x128xi32, #tpu.memory_space<vmem>>
      %dma_start3A_91 = tpu.memref_squeeze %dma_start3A_90 : memref<1x128xi32, #tpu.memory_space<vmem>> -> memref<128xi32, #tpu.memory_space<vmem>>
      %dma_start3A_92 = arith.constant 0 : i32
      %dma_start3A_93 = arith.constant 0 : i32
      %dma_start3A_94 = tpu.memref_slice %arg3[%dma_start3A_92, %dma_start3A_93] : memref<100000x128xf32, #tpu.memory_space<hbm>> -> memref<100000x128xf32, #tpu.memory_space<hbm>>
      tpu.enqueue_indirect_dma source(%dma_start3A_94 : memref<100000x128xf32, #tpu.memory_space<hbm>>) target(%dma_start3A_88 : memref<128x128xf32, #tpu.memory_space<vmem>>) offsets(%dma_start3A_91 : memref<128xi32, #tpu.memory_space<vmem>>) semaphore(%arg11 : memref<!tpu.dma_semaphore, #tpu.memory_space<semaphore_mem>>)
      %dma_start3A_95 = arith.constant 1 : i32
      %dma_start3A_96 = arith.constant 148 : i32
      %dma_start3A_97 = arith.constant 0 : i32
      %dma_start3A_98 = tpu.memref_slice %arg8[%dma_start3A_96, %dma_start3A_97] : memref<204x128xf32, #tpu.memory_space<vmem>> -> memref<56x128xf32, #tpu.memory_space<vmem>>
      %dma_start3A_99 = arith.constant 128 : i32
      %dma_start3A_100 = tpu.memref_slice %arg6[%dma_start3A_95, %dma_start3A_99] : memref<256x200xi32, #tpu.memory_space<vmem>> -> memref<1x56xi32, #tpu.memory_space<vmem>>
      %dma_start3A_101 = tpu.memref_squeeze %dma_start3A_100 : memref<1x56xi32, #tpu.memory_space<vmem>> -> memref<56xi32, #tpu.memory_space<vmem>>
      %dma_start3A_102 = arith.constant 0 : i32
      %dma_start3A_103 = arith.constant 0 : i32
      %dma_start3A_104 = tpu.memref_slice %arg3[%dma_start3A_102, %dma_start3A_103] : memref<100000x128xf32, #tpu.memory_space<hbm>> -> memref<100000x128xf32, #tpu.memory_space<hbm>>
      tpu.enqueue_indirect_dma source(%dma_start3A_104 : memref<100000x128xf32, #tpu.memory_space<hbm>>) target(%dma_start3A_98 : memref<56x128xf32, #tpu.memory_space<vmem>>) offsets(%dma_start3A_101 : memref<56xi32, #tpu.memory_space<vmem>>) semaphore(%arg11 : memref<!tpu.dma_semaphore, #tpu.memory_space<semaphore_mem>>)
      %scan3A = arith.constant 0 : i32
      %scan3A_105 = arith.constant 0 : i32
      %scan3A_106 = arith.constant 85 : i32
      %scan3A_107 = arith.addi %scan3A_105, %scan3A_106 : i32
      %scan3A_108 = arith.constant 1 : i32
      scf.for %scan3A_194 = %scan3A_105 to %scan3A_107 step %scan3A_108  : i32 {
        %mul3A_195 = arith.constant 3 : i32
        %mul3A_196 = arith.muli %mul3A_195, %scan3A_194 : i32
        %add3A_197 = arith.constant 0 : i32
        %add3A_198 = arith.addi %mul3A_196, %add3A_197 : i32
        %dma_wait3A_199 = arith.constant 20 : i32
        %dma_wait3A_200 = arith.constant 0 : i32
        %dma_wait3A_201 = tpu.memref_slice %arg7[%dma_wait3A_199, %dma_wait3A_200] : memref<204x128xf32, #tpu.memory_space<vmem>> -> memref<128x128xf32, #tpu.memory_space<vmem>>
        %dma_wait3A_202 = arith.constant 0 : i32
        %dma_wait3A_203 = tpu.memref_slice %arg6[%add3A_198, %dma_wait3A_202] : memref<256x200xi32, #tpu.memory_space<vmem>> -> memref<1x128xi32, #tpu.memory_space<vmem>>
        %dma_wait3A_204 = tpu.memref_squeeze %dma_wait3A_203 : memref<1x128xi32, #tpu.memory_space<vmem>> -> memref<128xi32, #tpu.memory_space<vmem>>
        %dma_wait3A_205 = arith.constant 0 : i32
        %dma_wait3A_206 = arith.constant 0 : i32
        %dma_wait3A_207 = tpu.memref_slice %arg3[%dma_wait3A_205, %dma_wait3A_206] : memref<100000x128xf32, #tpu.memory_space<hbm>> -> memref<100000x128xf32, #tpu.memory_space<hbm>>
        tpu.wait_indirect_dma semaphore(%arg10 : memref<!tpu.dma_semaphore, #tpu.memory_space<semaphore_mem>>) src(%dma_wait3A_207 : memref<100000x128xf32, #tpu.memory_space<hbm>>) dst(%dma_wait3A_201 : memref<128x128xf32, #tpu.memory_space<vmem>>)
        %dma_wait3A_208 = arith.constant 148 : i32
        %dma_wait3A_209 = arith.constant 0 : i32
        %dma_wait3A_210 = tpu.memref_slice %arg7[%dma_wait3A_208, %dma_wait3A_209] : memref<204x128xf32, #tpu.memory_space<vmem>> -> memref<56x128xf32, #tpu.memory_space<vmem>>
        %dma_wait3A_211 = arith.constant 128 : i32
        %dma_wait3A_212 = tpu.memref_slice %arg6[%add3A_198, %dma_wait3A_211] : memref<256x200xi32, #tpu.memory_space<vmem>> -> memref<1x56xi32, #tpu.memory_space<vmem>>
        %dma_wait3A_213 = tpu.memref_squeeze %dma_wait3A_212 : memref<1x56xi32, #tpu.memory_space<vmem>> -> memref<56xi32, #tpu.memory_space<vmem>>
        %dma_wait3A_214 = arith.constant 0 : i32
        %dma_wait3A_215 = arith.constant 0 : i32
        %dma_wait3A_216 = tpu.memref_slice %arg3[%dma_wait3A_214, %dma_wait3A_215] : memref<100000x128xf32, #tpu.memory_space<hbm>> -> memref<100000x128xf32, #tpu.memory_space<hbm>>
        tpu.wait_indirect_dma semaphore(%arg10 : memref<!tpu.dma_semaphore, #tpu.memory_space<semaphore_mem>>) src(%dma_wait3A_216 : memref<100000x128xf32, #tpu.memory_space<hbm>>) dst(%dma_wait3A_210 : memref<56x128xf32, #tpu.memory_space<vmem>>)
        %add3A_217 = arith.addi %mul3A_18, %add3A_198 : i32
        %dma_start3A_218 = arith.constant 0 : i32
        %dma_start3A_219 = arith.constant 0 : i32
        %dma_start3A_220 = tpu.memref_slice %arg7[%dma_start3A_218, %dma_start3A_219] : memref<204x128xf32, #tpu.memory_space<vmem>> -> memref<200x128xf32, #tpu.memory_space<vmem>>
        %dma_start3A_221 = arith.constant 0 : i32
        %dma_start3A_222 = arith.constant 0 : i32
        %dma_start3A_223 = tpu.memref_slice %arg5[%add3A_217, %dma_start3A_221, %dma_start3A_222] : memref<4096x200x128xf32, #tpu.memory_space<hbm>> -> memref<1x200x128xf32, #tpu.memory_space<hbm>>
        %dma_start3A_224 = tpu.memref_squeeze %dma_start3A_223 : memref<1x200x128xf32, #tpu.memory_space<hbm>> -> memref<200x128xf32, #tpu.memory_space<hbm>>
        %dma_start3A_225 = arith.constant 0 : i32
        %dma_start3A_226 = arith.constant 0 : i32
        %dma_start3A_227 = tpu.memref_slice %arg5[%add3A_217, %dma_start3A_225, %dma_start3A_226] : memref<4096x200x128xf32, #tpu.memory_space<hbm>> -> memref<1x200x128xf32, #tpu.memory_space<hbm>>
        %dma_start3A_228 = tpu.memref_squeeze %dma_start3A_227 : memref<1x200x128xf32, #tpu.memory_space<hbm>> -> memref<200x128xf32, #tpu.memory_space<hbm>>
        %dma_start3A_229 = arith.constant 0 : i32
        %dma_start3A_230 = arith.constant 0 : i32
        %dma_start3A_231 = tpu.memref_slice %arg7[%dma_start3A_229, %dma_start3A_230] : memref<204x128xf32, #tpu.memory_space<vmem>> -> memref<200x128xf32, #tpu.memory_space<vmem>>
        tpu.enqueue_dma source(%dma_start3A_231 : memref<200x128xf32, #tpu.memory_space<vmem>>) target(%dma_start3A_228 : memref<200x128xf32, #tpu.memory_space<hbm>>) target_semaphore(%arg13 : memref<!tpu.dma_semaphore, #tpu.memory_space<semaphore_mem>>)
        %add3A_232 = arith.constant 2 : i32
        %add3A_233 = arith.addi %add3A_198, %add3A_232 : i32
        %lt3A = arith.constant 256 : i32
        %lt3A_234 = arith.cmpi slt, %add3A_233, %lt3A : i32
        %convert_element_type3A_235 = arith.extui %lt3A_234 : i1 to i32
        %cond3A_236 = arith.constant 0 : i32
        %cond3A_237 = arith.cmpi ne, %convert_element_type3A_235, %cond3A_236 : i32
        scf.if %cond3A_237 {
          %ge3A = arith.constant 3 : i32
          %ge3A_326 = arith.cmpi sge, %add3A_233, %ge3A : i32
          %convert_element_type3A_327 = arith.extui %ge3A_326 : i1 to i32
          %cond3A_328 = arith.constant 0 : i32
          %cond3A_329 = arith.cmpi ne, %convert_element_type3A_327, %cond3A_328 : i32
          scf.if %cond3A_329 {
            %sub3A_348 = arith.constant 3 : i32
            %sub3A_349 = arith.subi %add3A_233, %sub3A_348 : i32
            %add3A_350 = arith.addi %mul3A_18, %sub3A_349 : i32
            %dma_wait3A_351 = arith.constant 0 : i32
            %dma_wait3A_352 = arith.constant 0 : i32
            %dma_wait3A_353 = tpu.memref_slice %arg9[%dma_wait3A_351, %dma_wait3A_352] : memref<204x128xf32, #tpu.memory_space<vmem>> -> memref<200x128xf32, #tpu.memory_space<vmem>>
            %dma_wait3A_354 = arith.constant 0 : i32
            %dma_wait3A_355 = arith.constant 0 : i32
            %dma_wait3A_356 = tpu.memref_slice %arg5[%add3A_350, %dma_wait3A_354, %dma_wait3A_355] : memref<4096x200x128xf32, #tpu.memory_space<hbm>> -> memref<1x200x128xf32, #tpu.memory_space<hbm>>
            %dma_wait3A_357 = tpu.memref_squeeze %dma_wait3A_356 : memref<1x200x128xf32, #tpu.memory_space<hbm>> -> memref<200x128xf32, #tpu.memory_space<hbm>>
            %dma_wait3A_358 = arith.constant 0 : i32
            %dma_wait3A_359 = arith.constant 0 : i32
            %dma_wait3A_360 = tpu.memref_slice %arg5[%add3A_350, %dma_wait3A_358, %dma_wait3A_359] : memref<4096x200x128xf32, #tpu.memory_space<hbm>> -> memref<1x200x128xf32, #tpu.memory_space<hbm>>
            %dma_wait3A_361 = tpu.memref_squeeze %dma_wait3A_360 : memref<1x200x128xf32, #tpu.memory_space<hbm>> -> memref<200x128xf32, #tpu.memory_space<hbm>>
            %dma_wait3A_362 = arith.constant 0 : i32
            %dma_wait3A_363 = arith.constant 0 : i32
            %dma_wait3A_364 = tpu.memref_slice %arg9[%dma_wait3A_362, %dma_wait3A_363] : memref<204x128xf32, #tpu.memory_space<vmem>> -> memref<200x128xf32, #tpu.memory_space<vmem>>
            tpu.wait_dma2 semaphore(%arg15 : memref<!tpu.dma_semaphore, #tpu.memory_space<semaphore_mem>>) src(%dma_wait3A_364 : memref<200x128xf32, #tpu.memory_space<vmem>>) dst(%dma_wait3A_361 : memref<200x128xf32, #tpu.memory_space<hbm>>)
          } else {
          }
          %dma_start3A_330 = arith.constant 20 : i32
          %dma_start3A_331 = arith.constant 0 : i32
          %dma_start3A_332 = tpu.memref_slice %arg9[%dma_start3A_330, %dma_start3A_331] : memref<204x128xf32, #tpu.memory_space<vmem>> -> memref<128x128xf32, #tpu.memory_space<vmem>>
          %dma_start3A_333 = arith.constant 0 : i32
          %dma_start3A_334 = tpu.memref_slice %arg6[%add3A_233, %dma_start3A_333] : memref<256x200xi32, #tpu.memory_space<vmem>> -> memref<1x128xi32, #tpu.memory_space<vmem>>
          %dma_start3A_335 = tpu.memref_squeeze %dma_start3A_334 : memref<1x128xi32, #tpu.memory_space<vmem>> -> memref<128xi32, #tpu.memory_space<vmem>>
          %dma_start3A_336 = arith.constant 0 : i32
          %dma_start3A_337 = arith.constant 0 : i32
          %dma_start3A_338 = tpu.memref_slice %arg3[%dma_start3A_336, %dma_start3A_337] : memref<100000x128xf32, #tpu.memory_space<hbm>> -> memref<100000x128xf32, #tpu.memory_space<hbm>>
          tpu.enqueue_indirect_dma source(%dma_start3A_338 : memref<100000x128xf32, #tpu.memory_space<hbm>>) target(%dma_start3A_332 : memref<128x128xf32, #tpu.memory_space<vmem>>) offsets(%dma_start3A_335 : memref<128xi32, #tpu.memory_space<vmem>>) semaphore(%arg12 : memref<!tpu.dma_semaphore, #tpu.memory_space<semaphore_mem>>)
          %dma_start3A_339 = arith.constant 148 : i32
          %dma_start3A_340 = arith.constant 0 : i32
          %dma_start3A_341 = tpu.memref_slice %arg9[%dma_start3A_339, %dma_start3A_340] : memref<204x128xf32, #tpu.memory_space<vmem>> -> memref<56x128xf32, #tpu.memory_space<vmem>>
          %dma_start3A_342 = arith.constant 128 : i32
          %dma_start3A_343 = tpu.memref_slice %arg6[%add3A_233, %dma_start3A_342] : memref<256x200xi32, #tpu.memory_space<vmem>> -> memref<1x56xi32, #tpu.memory_space<vmem>>
          %dma_start3A_344 = tpu.memref_squeeze %dma_start3A_343 : memref<1x56xi32, #tpu.memory_space<vmem>> -> memref<56xi32, #tpu.memory_space<vmem>>
          %dma_start3A_345 = arith.constant 0 : i32
          %dma_start3A_346 = arith.constant 0 : i32
          %dma_start3A_347 = tpu.memref_slice %arg3[%dma_start3A_345, %dma_start3A_346] : memref<100000x128xf32, #tpu.memory_space<hbm>> -> memref<100000x128xf32, #tpu.memory_space<hbm>>
          tpu.enqueue_indirect_dma source(%dma_start3A_347 : memref<100000x128xf32, #tpu.memory_space<hbm>>) target(%dma_start3A_341 : memref<56x128xf32, #tpu.memory_space<vmem>>) offsets(%dma_start3A_344 : memref<56xi32, #tpu.memory_space<vmem>>) semaphore(%arg12 : memref<!tpu.dma_semaphore, #tpu.memory_space<semaphore_mem>>)
        } else {
        }
        %mul3A_238 = arith.constant 3 : i32
        %mul3A_239 = arith.muli %mul3A_238, %scan3A_194 : i32
        %add3A_240 = arith.constant 1 : i32
        %add3A_241 = arith.addi %mul3A_239, %add3A_240 : i32
        %dma_wait3A_242 = arith.constant 20 : i32
        %dma_wait3A_243 = arith.constant 0 : i32
        %dma_wait3A_244 = tpu.memref_slice %arg8[%dma_wait3A_242, %dma_wait3A_243] : memref<204x128xf32, #tpu.memory_space<vmem>> -> memref<128x128xf32, #tpu.memory_space<vmem>>
        %dma_wait3A_245 = arith.constant 0 : i32
        %dma_wait3A_246 = tpu.memref_slice %arg6[%add3A_241, %dma_wait3A_245] : memref<256x200xi32, #tpu.memory_space<vmem>> -> memref<1x128xi32, #tpu.memory_space<vmem>>
        %dma_wait3A_247 = tpu.memref_squeeze %dma_wait3A_246 : memref<1x128xi32, #tpu.memory_space<vmem>> -> memref<128xi32, #tpu.memory_space<vmem>>
        %dma_wait3A_248 = arith.constant 0 : i32
        %dma_wait3A_249 = arith.constant 0 : i32
        %dma_wait3A_250 = tpu.memref_slice %arg3[%dma_wait3A_248, %dma_wait3A_249] : memref<100000x128xf32, #tpu.memory_space<hbm>> -> memref<100000x128xf32, #tpu.memory_space<hbm>>
        tpu.wait_indirect_dma semaphore(%arg11 : memref<!tpu.dma_semaphore, #tpu.memory_space<semaphore_mem>>) src(%dma_wait3A_250 : memref<100000x128xf32, #tpu.memory_space<hbm>>) dst(%dma_wait3A_244 : memref<128x128xf32, #tpu.memory_space<vmem>>)
        %dma_wait3A_251 = arith.constant 148 : i32
        %dma_wait3A_252 = arith.constant 0 : i32
        %dma_wait3A_253 = tpu.memref_slice %arg8[%dma_wait3A_251, %dma_wait3A_252] : memref<204x128xf32, #tpu.memory_space<vmem>> -> memref<56x128xf32, #tpu.memory_space<vmem>>
        %dma_wait3A_254 = arith.constant 128 : i32
        %dma_wait3A_255 = tpu.memref_slice %arg6[%add3A_241, %dma_wait3A_254] : memref<256x200xi32, #tpu.memory_space<vmem>> -> memref<1x56xi32, #tpu.memory_space<vmem>>
        %dma_wait3A_256 = tpu.memref_squeeze %dma_wait3A_255 : memref<1x56xi32, #tpu.memory_space<vmem>> -> memref<56xi32, #tpu.memory_space<vmem>>
        %dma_wait3A_257 = arith.constant 0 : i32
        %dma_wait3A_258 = arith.constant 0 : i32
        %dma_wait3A_259 = tpu.memref_slice %arg3[%dma_wait3A_257, %dma_wait3A_258] : memref<100000x128xf32, #tpu.memory_space<hbm>> -> memref<100000x128xf32, #tpu.memory_space<hbm>>
        tpu.wait_indirect_dma semaphore(%arg11 : memref<!tpu.dma_semaphore, #tpu.memory_space<semaphore_mem>>) src(%dma_wait3A_259 : memref<100000x128xf32, #tpu.memory_space<hbm>>) dst(%dma_wait3A_253 : memref<56x128xf32, #tpu.memory_space<vmem>>)
        %add3A_260 = arith.addi %mul3A_18, %add3A_241 : i32
        %dma_start3A_261 = arith.constant 0 : i32
        %dma_start3A_262 = arith.constant 0 : i32
        %dma_start3A_263 = tpu.memref_slice %arg8[%dma_start3A_261, %dma_start3A_262] : memref<204x128xf32, #tpu.memory_space<vmem>> -> memref<200x128xf32, #tpu.memory_space<vmem>>
        %dma_start3A_264 = arith.constant 0 : i32
        %dma_start3A_265 = arith.constant 0 : i32
        %dma_start3A_266 = tpu.memref_slice %arg5[%add3A_260, %dma_start3A_264, %dma_start3A_265] : memref<4096x200x128xf32, #tpu.memory_space<hbm>> -> memref<1x200x128xf32, #tpu.memory_space<hbm>>
        %dma_start3A_267 = tpu.memref_squeeze %dma_start3A_266 : memref<1x200x128xf32, #tpu.memory_space<hbm>> -> memref<200x128xf32, #tpu.memory_space<hbm>>
        %dma_start3A_268 = arith.constant 0 : i32
        %dma_start3A_269 = arith.constant 0 : i32
        %dma_start3A_270 = tpu.memref_slice %arg5[%add3A_260, %dma_start3A_268, %dma_start3A_269] : memref<4096x200x128xf32, #tpu.memory_space<hbm>> -> memref<1x200x128xf32, #tpu.memory_space<hbm>>
        %dma_start3A_271 = tpu.memref_squeeze %dma_start3A_270 : memref<1x200x128xf32, #tpu.memory_space<hbm>> -> memref<200x128xf32, #tpu.memory_space<hbm>>
        %dma_start3A_272 = arith.constant 0 : i32
        %dma_start3A_273 = arith.constant 0 : i32
        %dma_start3A_274 = tpu.memref_slice %arg8[%dma_start3A_272, %dma_start3A_273] : memref<204x128xf32, #tpu.memory_space<vmem>> -> memref<200x128xf32, #tpu.memory_space<vmem>>
        tpu.enqueue_dma source(%dma_start3A_274 : memref<200x128xf32, #tpu.memory_space<vmem>>) target(%dma_start3A_271 : memref<200x128xf32, #tpu.memory_space<hbm>>) target_semaphore(%arg14 : memref<!tpu.dma_semaphore, #tpu.memory_space<semaphore_mem>>)
        %add3A_275 = arith.constant 2 : i32
        %add3A_276 = arith.addi %add3A_241, %add3A_275 : i32
        %lt3A_277 = arith.constant 256 : i32
        %lt3A_278 = arith.cmpi slt, %add3A_276, %lt3A_277 : i32
        %convert_element_type3A_279 = arith.extui %lt3A_278 : i1 to i32
        %cond3A_280 = arith.constant 0 : i32
        %cond3A_281 = arith.cmpi ne, %convert_element_type3A_279, %cond3A_280 : i32
        scf.if %cond3A_281 {
          %ge3A = arith.constant 3 : i32
          %ge3A_326 = arith.cmpi sge, %add3A_276, %ge3A : i32
          %convert_element_type3A_327 = arith.extui %ge3A_326 : i1 to i32
          %cond3A_328 = arith.constant 0 : i32
          %cond3A_329 = arith.cmpi ne, %convert_element_type3A_327, %cond3A_328 : i32
          scf.if %cond3A_329 {
            %sub3A_348 = arith.constant 3 : i32
            %sub3A_349 = arith.subi %add3A_276, %sub3A_348 : i32
            %add3A_350 = arith.addi %mul3A_18, %sub3A_349 : i32
            %dma_wait3A_351 = arith.constant 0 : i32
            %dma_wait3A_352 = arith.constant 0 : i32
            %dma_wait3A_353 = tpu.memref_slice %arg7[%dma_wait3A_351, %dma_wait3A_352] : memref<204x128xf32, #tpu.memory_space<vmem>> -> memref<200x128xf32, #tpu.memory_space<vmem>>
            %dma_wait3A_354 = arith.constant 0 : i32
            %dma_wait3A_355 = arith.constant 0 : i32
            %dma_wait3A_356 = tpu.memref_slice %arg5[%add3A_350, %dma_wait3A_354, %dma_wait3A_355] : memref<4096x200x128xf32, #tpu.memory_space<hbm>> -> memref<1x200x128xf32, #tpu.memory_space<hbm>>
            %dma_wait3A_357 = tpu.memref_squeeze %dma_wait3A_356 : memref<1x200x128xf32, #tpu.memory_space<hbm>> -> memref<200x128xf32, #tpu.memory_space<hbm>>
            %dma_wait3A_358 = arith.constant 0 : i32
            %dma_wait3A_359 = arith.constant 0 : i32
            %dma_wait3A_360 = tpu.memref_slice %arg5[%add3A_350, %dma_wait3A_358, %dma_wait3A_359] : memref<4096x200x128xf32, #tpu.memory_space<hbm>> -> memref<1x200x128xf32, #tpu.memory_space<hbm>>
            %dma_wait3A_361 = tpu.memref_squeeze %dma_wait3A_360 : memref<1x200x128xf32, #tpu.memory_space<hbm>> -> memref<200x128xf32, #tpu.memory_space<hbm>>
            %dma_wait3A_362 = arith.constant 0 : i32
            %dma_wait3A_363 = arith.constant 0 : i32
            %dma_wait3A_364 = tpu.memref_slice %arg7[%dma_wait3A_362, %dma_wait3A_363] : memref<204x128xf32, #tpu.memory_space<vmem>> -> memref<200x128xf32, #tpu.memory_space<vmem>>
            tpu.wait_dma2 semaphore(%arg13 : memref<!tpu.dma_semaphore, #tpu.memory_space<semaphore_mem>>) src(%dma_wait3A_364 : memref<200x128xf32, #tpu.memory_space<vmem>>) dst(%dma_wait3A_361 : memref<200x128xf32, #tpu.memory_space<hbm>>)
          } else {
          }
          %dma_start3A_330 = arith.constant 20 : i32
          %dma_start3A_331 = arith.constant 0 : i32
          %dma_start3A_332 = tpu.memref_slice %arg7[%dma_start3A_330, %dma_start3A_331] : memref<204x128xf32, #tpu.memory_space<vmem>> -> memref<128x128xf32, #tpu.memory_space<vmem>>
          %dma_start3A_333 = arith.constant 0 : i32
          %dma_start3A_334 = tpu.memref_slice %arg6[%add3A_276, %dma_start3A_333] : memref<256x200xi32, #tpu.memory_space<vmem>> -> memref<1x128xi32, #tpu.memory_space<vmem>>
          %dma_start3A_335 = tpu.memref_squeeze %dma_start3A_334 : memref<1x128xi32, #tpu.memory_space<vmem>> -> memref<128xi32, #tpu.memory_space<vmem>>
          %dma_start3A_336 = arith.constant 0 : i32
          %dma_start3A_337 = arith.constant 0 : i32
          %dma_start3A_338 = tpu.memref_slice %arg3[%dma_start3A_336, %dma_start3A_337] : memref<100000x128xf32, #tpu.memory_space<hbm>> -> memref<100000x128xf32, #tpu.memory_space<hbm>>
          tpu.enqueue_indirect_dma source(%dma_start3A_338 : memref<100000x128xf32, #tpu.memory_space<hbm>>) target(%dma_start3A_332 : memref<128x128xf32, #tpu.memory_space<vmem>>) offsets(%dma_start3A_335 : memref<128xi32, #tpu.memory_space<vmem>>) semaphore(%arg10 : memref<!tpu.dma_semaphore, #tpu.memory_space<semaphore_mem>>)
          %dma_start3A_339 = arith.constant 148 : i32
          %dma_start3A_340 = arith.constant 0 : i32
          %dma_start3A_341 = tpu.memref_slice %arg7[%dma_start3A_339, %dma_start3A_340] : memref<204x128xf32, #tpu.memory_space<vmem>> -> memref<56x128xf32, #tpu.memory_space<vmem>>
          %dma_start3A_342 = arith.constant 128 : i32
          %dma_start3A_343 = tpu.memref_slice %arg6[%add3A_276, %dma_start3A_342] : memref<256x200xi32, #tpu.memory_space<vmem>> -> memref<1x56xi32, #tpu.memory_space<vmem>>
          %dma_start3A_344 = tpu.memref_squeeze %dma_start3A_343 : memref<1x56xi32, #tpu.memory_space<vmem>> -> memref<56xi32, #tpu.memory_space<vmem>>
          %dma_start3A_345 = arith.constant 0 : i32
          %dma_start3A_346 = arith.constant 0 : i32
          %dma_start3A_347 = tpu.memref_slice %arg3[%dma_start3A_345, %dma_start3A_346] : memref<100000x128xf32, #tpu.memory_space<hbm>> -> memref<100000x128xf32, #tpu.memory_space<hbm>>
          tpu.enqueue_indirect_dma source(%dma_start3A_347 : memref<100000x128xf32, #tpu.memory_space<hbm>>) target(%dma_start3A_341 : memref<56x128xf32, #tpu.memory_space<vmem>>) offsets(%dma_start3A_344 : memref<56xi32, #tpu.memory_space<vmem>>) semaphore(%arg10 : memref<!tpu.dma_semaphore, #tpu.memory_space<semaphore_mem>>)
        } else {
        }
        %mul3A_282 = arith.constant 3 : i32
        %mul3A_283 = arith.muli %mul3A_282, %scan3A_194 : i32
        %add3A_284 = arith.constant 2 : i32
        %add3A_285 = arith.addi %mul3A_283, %add3A_284 : i32
        %dma_wait3A_286 = arith.constant 20 : i32
        %dma_wait3A_287 = arith.constant 0 : i32
        %dma_wait3A_288 = tpu.memref_slice %arg9[%dma_wait3A_286, %dma_wait3A_287] : memref<204x128xf32, #tpu.memory_space<vmem>> -> memref<128x128xf32, #tpu.memory_space<vmem>>
        %dma_wait3A_289 = arith.constant 0 : i32
        %dma_wait3A_290 = tpu.memref_slice %arg6[%add3A_285, %dma_wait3A_289] : memref<256x200xi32, #tpu.memory_space<vmem>> -> memref<1x128xi32, #tpu.memory_space<vmem>>
        %dma_wait3A_291 = tpu.memref_squeeze %dma_wait3A_290 : memref<1x128xi32, #tpu.memory_space<vmem>> -> memref<128xi32, #tpu.memory_space<vmem>>
        %dma_wait3A_292 = arith.constant 0 : i32
        %dma_wait3A_293 = arith.constant 0 : i32
        %dma_wait3A_294 = tpu.memref_slice %arg3[%dma_wait3A_292, %dma_wait3A_293] : memref<100000x128xf32, #tpu.memory_space<hbm>> -> memref<100000x128xf32, #tpu.memory_space<hbm>>
        tpu.wait_indirect_dma semaphore(%arg12 : memref<!tpu.dma_semaphore, #tpu.memory_space<semaphore_mem>>) src(%dma_wait3A_294 : memref<100000x128xf32, #tpu.memory_space<hbm>>) dst(%dma_wait3A_288 : memref<128x128xf32, #tpu.memory_space<vmem>>)
        %dma_wait3A_295 = arith.constant 148 : i32
        %dma_wait3A_296 = arith.constant 0 : i32
        %dma_wait3A_297 = tpu.memref_slice %arg9[%dma_wait3A_295, %dma_wait3A_296] : memref<204x128xf32, #tpu.memory_space<vmem>> -> memref<56x128xf32, #tpu.memory_space<vmem>>
        %dma_wait3A_298 = arith.constant 128 : i32
        %dma_wait3A_299 = tpu.memref_slice %arg6[%add3A_285, %dma_wait3A_298] : memref<256x200xi32, #tpu.memory_space<vmem>> -> memref<1x56xi32, #tpu.memory_space<vmem>>
        %dma_wait3A_300 = tpu.memref_squeeze %dma_wait3A_299 : memref<1x56xi32, #tpu.memory_space<vmem>> -> memref<56xi32, #tpu.memory_space<vmem>>
        %dma_wait3A_301 = arith.constant 0 : i32
        %dma_wait3A_302 = arith.constant 0 : i32
        %dma_wait3A_303 = tpu.memref_slice %arg3[%dma_wait3A_301, %dma_wait3A_302] : memref<100000x128xf32, #tpu.memory_space<hbm>> -> memref<100000x128xf32, #tpu.memory_space<hbm>>
        tpu.wait_indirect_dma semaphore(%arg12 : memref<!tpu.dma_semaphore, #tpu.memory_space<semaphore_mem>>) src(%dma_wait3A_303 : memref<100000x128xf32, #tpu.memory_space<hbm>>) dst(%dma_wait3A_297 : memref<56x128xf32, #tpu.memory_space<vmem>>)
        %add3A_304 = arith.addi %mul3A_18, %add3A_285 : i32
        %dma_start3A_305 = arith.constant 0 : i32
        %dma_start3A_306 = arith.constant 0 : i32
        %dma_start3A_307 = tpu.memref_slice %arg9[%dma_start3A_305, %dma_start3A_306] : memref<204x128xf32, #tpu.memory_space<vmem>> -> memref<200x128xf32, #tpu.memory_space<vmem>>
        %dma_start3A_308 = arith.constant 0 : i32
        %dma_start3A_309 = arith.constant 0 : i32
        %dma_start3A_310 = tpu.memref_slice %arg5[%add3A_304, %dma_start3A_308, %dma_start3A_309] : memref<4096x200x128xf32, #tpu.memory_space<hbm>> -> memref<1x200x128xf32, #tpu.memory_space<hbm>>
        %dma_start3A_311 = tpu.memref_squeeze %dma_start3A_310 : memref<1x200x128xf32, #tpu.memory_space<hbm>> -> memref<200x128xf32, #tpu.memory_space<hbm>>
        %dma_start3A_312 = arith.constant 0 : i32
        %dma_start3A_313 = arith.constant 0 : i32
        %dma_start3A_314 = tpu.memref_slice %arg5[%add3A_304, %dma_start3A_312, %dma_start3A_313] : memref<4096x200x128xf32, #tpu.memory_space<hbm>> -> memref<1x200x128xf32, #tpu.memory_space<hbm>>
        %dma_start3A_315 = tpu.memref_squeeze %dma_start3A_314 : memref<1x200x128xf32, #tpu.memory_space<hbm>> -> memref<200x128xf32, #tpu.memory_space<hbm>>
        %dma_start3A_316 = arith.constant 0 : i32
        %dma_start3A_317 = arith.constant 0 : i32
        %dma_start3A_318 = tpu.memref_slice %arg9[%dma_start3A_316, %dma_start3A_317] : memref<204x128xf32, #tpu.memory_space<vmem>> -> memref<200x128xf32, #tpu.memory_space<vmem>>
        tpu.enqueue_dma source(%dma_start3A_318 : memref<200x128xf32, #tpu.memory_space<vmem>>) target(%dma_start3A_315 : memref<200x128xf32, #tpu.memory_space<hbm>>) target_semaphore(%arg15 : memref<!tpu.dma_semaphore, #tpu.memory_space<semaphore_mem>>)
        %add3A_319 = arith.constant 2 : i32
        %add3A_320 = arith.addi %add3A_285, %add3A_319 : i32
        %lt3A_321 = arith.constant 256 : i32
        %lt3A_322 = arith.cmpi slt, %add3A_320, %lt3A_321 : i32
        %convert_element_type3A_323 = arith.extui %lt3A_322 : i1 to i32
        %cond3A_324 = arith.constant 0 : i32
        %cond3A_325 = arith.cmpi ne, %convert_element_type3A_323, %cond3A_324 : i32
        scf.if %cond3A_325 {
          %ge3A = arith.constant 3 : i32
          %ge3A_326 = arith.cmpi sge, %add3A_320, %ge3A : i32
          %convert_element_type3A_327 = arith.extui %ge3A_326 : i1 to i32
          %cond3A_328 = arith.constant 0 : i32
          %cond3A_329 = arith.cmpi ne, %convert_element_type3A_327, %cond3A_328 : i32
          scf.if %cond3A_329 {
            %sub3A_348 = arith.constant 3 : i32
            %sub3A_349 = arith.subi %add3A_320, %sub3A_348 : i32
            %add3A_350 = arith.addi %mul3A_18, %sub3A_349 : i32
            %dma_wait3A_351 = arith.constant 0 : i32
            %dma_wait3A_352 = arith.constant 0 : i32
            %dma_wait3A_353 = tpu.memref_slice %arg8[%dma_wait3A_351, %dma_wait3A_352] : memref<204x128xf32, #tpu.memory_space<vmem>> -> memref<200x128xf32, #tpu.memory_space<vmem>>
            %dma_wait3A_354 = arith.constant 0 : i32
            %dma_wait3A_355 = arith.constant 0 : i32
            %dma_wait3A_356 = tpu.memref_slice %arg5[%add3A_350, %dma_wait3A_354, %dma_wait3A_355] : memref<4096x200x128xf32, #tpu.memory_space<hbm>> -> memref<1x200x128xf32, #tpu.memory_space<hbm>>
            %dma_wait3A_357 = tpu.memref_squeeze %dma_wait3A_356 : memref<1x200x128xf32, #tpu.memory_space<hbm>> -> memref<200x128xf32, #tpu.memory_space<hbm>>
            %dma_wait3A_358 = arith.constant 0 : i32
            %dma_wait3A_359 = arith.constant 0 : i32
            %dma_wait3A_360 = tpu.memref_slice %arg5[%add3A_350, %dma_wait3A_358, %dma_wait3A_359] : memref<4096x200x128xf32, #tpu.memory_space<hbm>> -> memref<1x200x128xf32, #tpu.memory_space<hbm>>
            %dma_wait3A_361 = tpu.memref_squeeze %dma_wait3A_360 : memref<1x200x128xf32, #tpu.memory_space<hbm>> -> memref<200x128xf32, #tpu.memory_space<hbm>>
            %dma_wait3A_362 = arith.constant 0 : i32
            %dma_wait3A_363 = arith.constant 0 : i32
            %dma_wait3A_364 = tpu.memref_slice %arg8[%dma_wait3A_362, %dma_wait3A_363] : memref<204x128xf32, #tpu.memory_space<vmem>> -> memref<200x128xf32, #tpu.memory_space<vmem>>
            tpu.wait_dma2 semaphore(%arg14 : memref<!tpu.dma_semaphore, #tpu.memory_space<semaphore_mem>>) src(%dma_wait3A_364 : memref<200x128xf32, #tpu.memory_space<vmem>>) dst(%dma_wait3A_361 : memref<200x128xf32, #tpu.memory_space<hbm>>)
          } else {
          }
          %dma_start3A_330 = arith.constant 20 : i32
          %dma_start3A_331 = arith.constant 0 : i32
          %dma_start3A_332 = tpu.memref_slice %arg8[%dma_start3A_330, %dma_start3A_331] : memref<204x128xf32, #tpu.memory_space<vmem>> -> memref<128x128xf32, #tpu.memory_space<vmem>>
          %dma_start3A_333 = arith.constant 0 : i32
          %dma_start3A_334 = tpu.memref_slice %arg6[%add3A_320, %dma_start3A_333] : memref<256x200xi32, #tpu.memory_space<vmem>> -> memref<1x128xi32, #tpu.memory_space<vmem>>
          %dma_start3A_335 = tpu.memref_squeeze %dma_start3A_334 : memref<1x128xi32, #tpu.memory_space<vmem>> -> memref<128xi32, #tpu.memory_space<vmem>>
          %dma_start3A_336 = arith.constant 0 : i32
          %dma_start3A_337 = arith.constant 0 : i32
          %dma_start3A_338 = tpu.memref_slice %arg3[%dma_start3A_336, %dma_start3A_337] : memref<100000x128xf32, #tpu.memory_space<hbm>> -> memref<100000x128xf32, #tpu.memory_space<hbm>>
          tpu.enqueue_indirect_dma source(%dma_start3A_338 : memref<100000x128xf32, #tpu.memory_space<hbm>>) target(%dma_start3A_332 : memref<128x128xf32, #tpu.memory_space<vmem>>) offsets(%dma_start3A_335 : memref<128xi32, #tpu.memory_space<vmem>>) semaphore(%arg11 : memref<!tpu.dma_semaphore, #tpu.memory_space<semaphore_mem>>)
          %dma_start3A_339 = arith.constant 148 : i32
          %dma_start3A_340 = arith.constant 0 : i32
          %dma_start3A_341 = tpu.memref_slice %arg8[%dma_start3A_339, %dma_start3A_340] : memref<204x128xf32, #tpu.memory_space<vmem>> -> memref<56x128xf32, #tpu.memory_space<vmem>>
          %dma_start3A_342 = arith.constant 128 : i32
          %dma_start3A_343 = tpu.memref_slice %arg6[%add3A_320, %dma_start3A_342] : memref<256x200xi32, #tpu.memory_space<vmem>> -> memref<1x56xi32, #tpu.memory_space<vmem>>
          %dma_start3A_344 = tpu.memref_squeeze %dma_start3A_343 : memref<1x56xi32, #tpu.memory_space<vmem>> -> memref<56xi32, #tpu.memory_space<vmem>>
          %dma_start3A_345 = arith.constant 0 : i32
          %dma_start3A_346 = arith.constant 0 : i32
          %dma_start3A_347 = tpu.memref_slice %arg3[%dma_start3A_345, %dma_start3A_346] : memref<100000x128xf32, #tpu.memory_space<hbm>> -> memref<100000x128xf32, #tpu.memory_space<hbm>>
          tpu.enqueue_indirect_dma source(%dma_start3A_347 : memref<100000x128xf32, #tpu.memory_space<hbm>>) target(%dma_start3A_341 : memref<56x128xf32, #tpu.memory_space<vmem>>) offsets(%dma_start3A_344 : memref<56xi32, #tpu.memory_space<vmem>>) semaphore(%arg11 : memref<!tpu.dma_semaphore, #tpu.memory_space<semaphore_mem>>)
        } else {
        }
      }
      %scan3A_109 = arith.constant 85 : i32
      %dma_wait3A_110 = arith.constant 255 : i32
      %dma_wait3A_111 = arith.constant 20 : i32
      %dma_wait3A_112 = arith.constant 0 : i32
      %dma_wait3A_113 = tpu.memref_slice %arg7[%dma_wait3A_111, %dma_wait3A_112] : memref<204x128xf32, #tpu.memory_space<vmem>> -> memref<128x128xf32, #tpu.memory_space<vmem>>
      %dma_wait3A_114 = arith.constant 0 : i32
      %dma_wait3A_115 = tpu.memref_slice %arg6[%dma_wait3A_110, %dma_wait3A_114] : memref<256x200xi32, #tpu.memory_space<vmem>> -> memref<1x128xi32, #tpu.memory_space<vmem>>
      %dma_wait3A_116 = tpu.memref_squeeze %dma_wait3A_115 : memref<1x128xi32, #tpu.memory_space<vmem>> -> memref<128xi32, #tpu.memory_space<vmem>>
      %dma_wait3A_117 = arith.constant 0 : i32
      %dma_wait3A_118 = arith.constant 0 : i32
      %dma_wait3A_119 = tpu.memref_slice %arg3[%dma_wait3A_117, %dma_wait3A_118] : memref<100000x128xf32, #tpu.memory_space<hbm>> -> memref<100000x128xf32, #tpu.memory_space<hbm>>
      tpu.wait_indirect_dma semaphore(%arg10 : memref<!tpu.dma_semaphore, #tpu.memory_space<semaphore_mem>>) src(%dma_wait3A_119 : memref<100000x128xf32, #tpu.memory_space<hbm>>) dst(%dma_wait3A_113 : memref<128x128xf32, #tpu.memory_space<vmem>>)
      %dma_wait3A_120 = arith.constant 255 : i32
      %dma_wait3A_121 = arith.constant 148 : i32
      %dma_wait3A_122 = arith.constant 0 : i32
      %dma_wait3A_123 = tpu.memref_slice %arg7[%dma_wait3A_121, %dma_wait3A_122] : memref<204x128xf32, #tpu.memory_space<vmem>> -> memref<56x128xf32, #tpu.memory_space<vmem>>
      %dma_wait3A_124 = arith.constant 128 : i32
      %dma_wait3A_125 = tpu.memref_slice %arg6[%dma_wait3A_120, %dma_wait3A_124] : memref<256x200xi32, #tpu.memory_space<vmem>> -> memref<1x56xi32, #tpu.memory_space<vmem>>
      %dma_wait3A_126 = tpu.memref_squeeze %dma_wait3A_125 : memref<1x56xi32, #tpu.memory_space<vmem>> -> memref<56xi32, #tpu.memory_space<vmem>>
      %dma_wait3A_127 = arith.constant 0 : i32
      %dma_wait3A_128 = arith.constant 0 : i32
      %dma_wait3A_129 = tpu.memref_slice %arg3[%dma_wait3A_127, %dma_wait3A_128] : memref<100000x128xf32, #tpu.memory_space<hbm>> -> memref<100000x128xf32, #tpu.memory_space<hbm>>
      tpu.wait_indirect_dma semaphore(%arg10 : memref<!tpu.dma_semaphore, #tpu.memory_space<semaphore_mem>>) src(%dma_wait3A_129 : memref<100000x128xf32, #tpu.memory_space<hbm>>) dst(%dma_wait3A_123 : memref<56x128xf32, #tpu.memory_space<vmem>>)
      %add3A_130 = arith.constant 255 : i32
      %add3A_131 = arith.addi %mul3A_18, %add3A_130 : i32
      %dma_start3A_132 = arith.constant 0 : i32
      %dma_start3A_133 = arith.constant 0 : i32
      %dma_start3A_134 = tpu.memref_slice %arg7[%dma_start3A_132, %dma_start3A_133] : memref<204x128xf32, #tpu.memory_space<vmem>> -> memref<200x128xf32, #tpu.memory_space<vmem>>
      %dma_start3A_135 = arith.constant 0 : i32
      %dma_start3A_136 = arith.constant 0 : i32
      %dma_start3A_137 = tpu.memref_slice %arg5[%add3A_131, %dma_start3A_135, %dma_start3A_136] : memref<4096x200x128xf32, #tpu.memory_space<hbm>> -> memref<1x200x128xf32, #tpu.memory_space<hbm>>
      %dma_start3A_138 = tpu.memref_squeeze %dma_start3A_137 : memref<1x200x128xf32, #tpu.memory_space<hbm>> -> memref<200x128xf32, #tpu.memory_space<hbm>>
      %dma_start3A_139 = arith.constant 0 : i32
      %dma_start3A_140 = arith.constant 0 : i32
      %dma_start3A_141 = tpu.memref_slice %arg5[%add3A_131, %dma_start3A_139, %dma_start3A_140] : memref<4096x200x128xf32, #tpu.memory_space<hbm>> -> memref<1x200x128xf32, #tpu.memory_space<hbm>>
      %dma_start3A_142 = tpu.memref_squeeze %dma_start3A_141 : memref<1x200x128xf32, #tpu.memory_space<hbm>> -> memref<200x128xf32, #tpu.memory_space<hbm>>
      %dma_start3A_143 = arith.constant 0 : i32
      %dma_start3A_144 = arith.constant 0 : i32
      %dma_start3A_145 = tpu.memref_slice %arg7[%dma_start3A_143, %dma_start3A_144] : memref<204x128xf32, #tpu.memory_space<vmem>> -> memref<200x128xf32, #tpu.memory_space<vmem>>
      tpu.enqueue_dma source(%dma_start3A_145 : memref<200x128xf32, #tpu.memory_space<vmem>>) target(%dma_start3A_142 : memref<200x128xf32, #tpu.memory_space<hbm>>) target_semaphore(%arg13 : memref<!tpu.dma_semaphore, #tpu.memory_space<semaphore_mem>>)
      %add3A_146 = arith.constant 253 : i32
      %add3A_147 = arith.addi %mul3A_18, %add3A_146 : i32
      %dma_wait3A_148 = arith.constant 0 : i32
      %dma_wait3A_149 = arith.constant 0 : i32
      %dma_wait3A_150 = tpu.memref_slice %arg8[%dma_wait3A_148, %dma_wait3A_149] : memref<204x128xf32, #tpu.memory_space<vmem>> -> memref<200x128xf32, #tpu.memory_space<vmem>>
      %dma_wait3A_151 = arith.constant 0 : i32
      %dma_wait3A_152 = arith.constant 0 : i32
      %dma_wait3A_153 = tpu.memref_slice %arg5[%add3A_147, %dma_wait3A_151, %dma_wait3A_152] : memref<4096x200x128xf32, #tpu.memory_space<hbm>> -> memref<1x200x128xf32, #tpu.memory_space<hbm>>
      %dma_wait3A_154 = tpu.memref_squeeze %dma_wait3A_153 : memref<1x200x128xf32, #tpu.memory_space<hbm>> -> memref<200x128xf32, #tpu.memory_space<hbm>>
      %dma_wait3A_155 = arith.constant 0 : i32
      %dma_wait3A_156 = arith.constant 0 : i32
      %dma_wait3A_157 = tpu.memref_slice %arg5[%add3A_147, %dma_wait3A_155, %dma_wait3A_156] : memref<4096x200x128xf32, #tpu.memory_space<hbm>> -> memref<1x200x128xf32, #tpu.memory_space<hbm>>
      %dma_wait3A_158 = tpu.memref_squeeze %dma_wait3A_157 : memref<1x200x128xf32, #tpu.memory_space<hbm>> -> memref<200x128xf32, #tpu.memory_space<hbm>>
      %dma_wait3A_159 = arith.constant 0 : i32
      %dma_wait3A_160 = arith.constant 0 : i32
      %dma_wait3A_161 = tpu.memref_slice %arg8[%dma_wait3A_159, %dma_wait3A_160] : memref<204x128xf32, #tpu.memory_space<vmem>> -> memref<200x128xf32, #tpu.memory_space<vmem>>
      tpu.wait_dma2 semaphore(%arg14 : memref<!tpu.dma_semaphore, #tpu.memory_space<semaphore_mem>>) src(%dma_wait3A_161 : memref<200x128xf32, #tpu.memory_space<vmem>>) dst(%dma_wait3A_158 : memref<200x128xf32, #tpu.memory_space<hbm>>)
      %add3A_162 = arith.constant 254 : i32
      %add3A_163 = arith.addi %mul3A_18, %add3A_162 : i32
      %dma_wait3A_164 = arith.constant 0 : i32
      %dma_wait3A_165 = arith.constant 0 : i32
      %dma_wait3A_166 = tpu.memref_slice %arg9[%dma_wait3A_164, %dma_wait3A_165] : memref<204x128xf32, #tpu.memory_space<vmem>> -> memref<200x128xf32, #tpu.memory_space<vmem>>
      %dma_wait3A_167 = arith.constant 0 : i32
      %dma_wait3A_168 = arith.constant 0 : i32
      %dma_wait3A_169 = tpu.memref_slice %arg5[%add3A_163, %dma_wait3A_167, %dma_wait3A_168] : memref<4096x200x128xf32, #tpu.memory_space<hbm>> -> memref<1x200x128xf32, #tpu.memory_space<hbm>>
      %dma_wait3A_170 = tpu.memref_squeeze %dma_wait3A_169 : memref<1x200x128xf32, #tpu.memory_space<hbm>> -> memref<200x128xf32, #tpu.memory_space<hbm>>
      %dma_wait3A_171 = arith.constant 0 : i32
      %dma_wait3A_172 = arith.constant 0 : i32
      %dma_wait3A_173 = tpu.memref_slice %arg5[%add3A_163, %dma_wait3A_171, %dma_wait3A_172] : memref<4096x200x128xf32, #tpu.memory_space<hbm>> -> memref<1x200x128xf32, #tpu.memory_space<hbm>>
      %dma_wait3A_174 = tpu.memref_squeeze %dma_wait3A_173 : memref<1x200x128xf32, #tpu.memory_space<hbm>> -> memref<200x128xf32, #tpu.memory_space<hbm>>
      %dma_wait3A_175 = arith.constant 0 : i32
      %dma_wait3A_176 = arith.constant 0 : i32
      %dma_wait3A_177 = tpu.memref_slice %arg9[%dma_wait3A_175, %dma_wait3A_176] : memref<204x128xf32, #tpu.memory_space<vmem>> -> memref<200x128xf32, #tpu.memory_space<vmem>>
      tpu.wait_dma2 semaphore(%arg15 : memref<!tpu.dma_semaphore, #tpu.memory_space<semaphore_mem>>) src(%dma_wait3A_177 : memref<200x128xf32, #tpu.memory_space<vmem>>) dst(%dma_wait3A_174 : memref<200x128xf32, #tpu.memory_space<hbm>>)
      %add3A_178 = arith.constant 255 : i32
      %add3A_179 = arith.addi %mul3A_18, %add3A_178 : i32
      %dma_wait3A_180 = arith.constant 0 : i32
      %dma_wait3A_181 = arith.constant 0 : i32
      %dma_wait3A_182 = tpu.memref_slice %arg7[%dma_wait3A_180, %dma_wait3A_181] : memref<204x128xf32, #tpu.memory_space<vmem>> -> memref<200x128xf32, #tpu.memory_space<vmem>>
      %dma_wait3A_183 = arith.constant 0 : i32
      %dma_wait3A_184 = arith.constant 0 : i32
      %dma_wait3A_185 = tpu.memref_slice %arg5[%add3A_179, %dma_wait3A_183, %dma_wait3A_184] : memref<4096x200x128xf32, #tpu.memory_space<hbm>> -> memref<1x200x128xf32, #tpu.memory_space<hbm>>
      %dma_wait3A_186 = tpu.memref_squeeze %dma_wait3A_185 : memref<1x200x128xf32, #tpu.memory_space<hbm>> -> memref<200x128xf32, #tpu.memory_space<hbm>>
      %dma_wait3A_187 = arith.constant 0 : i32
      %dma_wait3A_188 = arith.constant 0 : i32
      %dma_wait3A_189 = tpu.memref_slice %arg5[%add3A_179, %dma_wait3A_187, %dma_wait3A_188] : memref<4096x200x128xf32, #tpu.memory_space<hbm>> -> memref<1x200x128xf32, #tpu.memory_space<hbm>>
      %dma_wait3A_190 = tpu.memref_squeeze %dma_wait3A_189 : memref<1x200x128xf32, #tpu.memory_space<hbm>> -> memref<200x128xf32, #tpu.memory_space<hbm>>
      %dma_wait3A_191 = arith.constant 0 : i32
      %dma_wait3A_192 = arith.constant 0 : i32
      %dma_wait3A_193 = tpu.memref_slice %arg7[%dma_wait3A_191, %dma_wait3A_192] : memref<204x128xf32, #tpu.memory_space<vmem>> -> memref<200x128xf32, #tpu.memory_space<vmem>>
      tpu.wait_dma2 semaphore(%arg13 : memref<!tpu.dma_semaphore, #tpu.memory_space<semaphore_mem>>) src(%dma_wait3A_193 : memref<200x128xf32, #tpu.memory_space<vmem>>) dst(%dma_wait3A_190 : memref<200x128xf32, #tpu.memory_space<hbm>>)
    } else {
    }
    return
  }
}

</mosaic_0001>

<sc_bundles>
// kernel: kernel.3.cloned.1.call-start
scs
__scs_entry_jumppad:
0x0: {  	(pc) =	sbr.rel $0x88, $3  }
0x1: {  	(tag) =	ssettag $0x0;
	lr =	simm.s32 $0x1  }
0x2: {  	[smem:$0x3F9E] =	sst lr;
	_ =	strace $0xD0000000  }
0x3: {  	_ = 	snop  }
0x4: {  	_ = 	snop  }
0x5: {  	_ = 	snop  }
0x6: {  	_ = 	snop  }
0x7: {  	_ = 	snop  }
__scs_overlays_trampoline_lowered:
0x8: {  	[smem:$0x3FAD] =	sst s0  }
0x9: {  	[smem:$0x3FAE] =	sst s1  }
0xa: {  	[smem:$0x3FAF] =	sst s2  }
0xb: {  	[smem:$0x3FB0] =	sst s3  }
0xc: {  	[smem:$0x3FB1] =	sst s4  }
0xd: {  	[smem:$0x3FB2] =	sst s5  }
0xe: {  	[smem:$0x3FB3] =	sst s6  }
0xf: {  	[smem:$0x3FB4] =	sst s7  }
0x10: {  	[smem:$0x3FB5] =	sst s8  }
0x11: {  	[smem:$0x3FB6] =	sst s9;
	s0 =	simm.s32 @!p0 $0x0  }
0x12: {  	s1 =	sld [smem:$0x3F9C];
	s0 =	simm.s32 @p0 $0x1  }
0x13: {  	[smem:$0x3FB7] =	sst s0;
	s0 =	simm.s32 @!p1 $0x0  }
0x14: {  	s2 =	sld [smem:$0x3F9B];
	s0 =	simm.s32 @p1 $0x1  }
0x15: {  	[smem:$0x3FB8] =	sst s0;
	s0 =	simm.s32 @!p2 $0x0  }
0x16: {  	s3 =	sld [smem:$0x3FDB];
	s0 =	simm.s32 @p2 $0x1  }
0x17: {  	s4 =	simm.s32 $0x1BF5;
	[smem:$0x3FBA] =	sst s0  }
0x18: {  	s0 =	sld [smem:$0x3F9D];
	_ =	swait.ge [sflag:s4], $0x0  }
0x19: {  	s7 =	sld [smem:$0x3F9E]  }
0x1a: {  	s8 =	sadd.s32 $0xFFFFE003, lr  }
0x1b: {  	s9 =	sadd.s32 $0xFFFFFEF7, lr;
	s5 =	simm.s32 $0xFFFFFFFF;
	p2 =	slt.u32 s8, $0xFFFFF086  }
0x1c: {  	p1 =	slt.u32 s9, $0xF7A;
	s5 =	simm.s32 @!p2 $0x0  }
0x1d: {  	s5 =	simm.s32 @p1 $0x1;
	p0 =	seq.s32 s7, s2  }
0x1e: {  	s7 =	smul.u32 @!p0 $0xF7A, s2;
	p2 =	seq.s32 @!p0 s5, $0x0  }
0x1f: {  	s9 =	smul.u32 $0xF7A, s1;
	s8 =	simm.s32 @!p0 $0x1BF5;
	p2 =	por !p2, p0  }
0x20: {  	[sflag:s8] =	ssyncset.s32 @!p0 $0xFFFFF086;
	s6 =	sadd.s32 @!p0 s3, s7;
	s7 =	simm.s32 @!p0 $0x108  }
0x21: {  	s3 =	sadd.s32 s3, s9;
	s6 =	sadd.s32 @!p0 $0x88, s6;
	s7 =	simm.s32 @p2 $0x1082  }
0x22: {  	[simem:s7], [sflag:s8] =	dma.local @!p0 [hbm:s6], $0xF7A  }
0x23: {  	s9 =	sor.u32 $0xD0000000, s2;
	s6 =	simm.s32 $0x108;
	_ =	swait.ge @!p0 [sflag:s8], $0x0  }
0x24: {  	s3 =	sadd.s32 $0x88, s3;
	s6 =	simm.s32 @!p1 $0x1082;
	[sflag:s4] =	ssyncset.s32 $0xFFFFF086  }
0x25: {  	[simem:s6], [sflag:s4] =	dma.local [hbm:s3], $0xF7A  }
0x26: {  	[smem:$0x3F9E] =	sst s1;
	(tag) =	ssettag s2;
	_ =	strace s9  }
0x27: {  	s1 =	sld [smem:$0x3FAE]  }
0x28: {  	s2 =	sld [smem:$0x3FAF]  }
0x29: {  	s4 =	sld [smem:$0x3FB1]  }
0x2a: {  	p0 =	seq.s32 s5, $0x0;
	s5 =	sld [smem:$0x3FB2]  }
0x2b: {  	s6 =	sld [smem:$0x3FB3]  }
0x2c: {  	s7 =	sld [smem:$0x3FB4]  }
0x2d: {  	s3 =	simm.s32 $0x108;
	s8 =	sld [smem:$0x3FB5]  }
0x2e: {  	s3 =	simm.s32 @!p0 $0x1082;
	s9 =	sld [smem:$0x3FB6]  }
0x2f: {  	lr =	sadd.s32 s0, s3;
	s0 =	sld [smem:$0x3FAD]  }
0x30: {  	s3 =	sld [smem:$0x3FB0]  }
0x31: {  	[smem:$0x3FB9] =	sst s10  }
0x32: {  	s10 =	sld [smem:$0x3FB7];
	_ =	sdelay $0x3  }
0x33: {  	p0 =	seq.s32 s10, $0x1;
	s10 =	sld [smem:$0x3FB9];
	_ =	sdelay $0x3  }
0x34: {  	[smem:$0x3FB9] =	sst s10  }
0x35: {  	s10 =	sld [smem:$0x3FB8];
	_ =	sdelay $0x3  }
0x36: {  	p1 =	seq.s32 s10, $0x1;
	s10 =	sld [smem:$0x3FB9];
	_ =	sdelay $0x3  }
0x37: {  	[smem:$0x3FB9] =	sst s10  }
0x38: {  	s10 =	sld [smem:$0x3FBA]  }
0x39: {  	_ = 	snop;
	(pc) =	sbr.ind lr, $3  }
0x3a: {  	_ = 	snop  }
0x3b: {  	_ = 	snop  }
0x3c: {  	p2 =	seq.s32 s10, $0x1;
	s10 =	sld [smem:$0x3FB9]  }
0x3d: {  	_ =	shalt  }
0x3e: {  	_ =	shalt  }
0x3f: {  	_ =	shalt  }
0x40: {  	_ =	shalt  }
0x41: {  	_ =	shalt  }
0x42: {  	_ =	shalt  }
0x43: {  	_ =	shalt  }
0x44: {  	_ =	shalt  }
0x45: {  	_ =	shalt  }
0x46: {  	_ =	shalt  }
0x47: {  	_ =	shalt  }
0x48: {  	_ =	shalt  }
0x49: {  	_ =	shalt  }
0x4a: {  	_ =	shalt  }
0x4b: {  	_ =	shalt  }
0x4c: {  	_ =	shalt  }
0x4d: {  	_ =	shalt  }
0x4e: {  	_ =	shalt  }
0x4f: {  	_ =	shalt  }
0x50: {  	_ =	shalt  }
0x51: {  	_ =	shalt  }
0x52: {  	_ =	shalt  }
0x53: {  	_ =	shalt  }
0x54: {  	_ =	shalt  }
0x55: {  	_ =	shalt  }
0x56: {  	_ =	shalt  }
0x57: {  	_ =	shalt  }
0x58: {  	_ =	shalt  }
0x59: {  	_ =	shalt  }
0x5a: {  	_ =	shalt  }
0x5b: {  	_ =	shalt  }
0x5c: {  	_ =	shalt  }
0x5d: {  	_ =	shalt  }
0x5e: {  	_ =	shalt  }
0x5f: {  	_ =	shalt  }
0x60: {  	_ =	shalt  }
0x61: {  	_ =	shalt  }
0x62: {  	_ =	shalt  }
0x63: {  	_ =	shalt  }
0x64: {  	_ =	shalt  }
0x65: {  	_ =	shalt  }
0x66: {  	_ =	shalt  }
0x67: {  	_ =	shalt  }
0x68: {  	_ =	shalt  }
0x69: {  	_ =	shalt  }
0x6a: {  	_ =	shalt  }
0x6b: {  	_ =	shalt  }
0x6c: {  	_ =	shalt  }
0x6d: {  	_ =	shalt  }
0x6e: {  	_ =	shalt  }
0x6f: {  	_ =	shalt  }
0x70: {  	_ =	shalt  }
0x71: {  	_ =	shalt  }
0x72: {  	_ =	shalt  }
0x73: {  	_ =	shalt  }
0x74: {  	_ =	shalt  }
0x75: {  	_ =	shalt  }
0x76: {  	_ =	shalt  }
0x77: {  	_ =	shalt  }
0x78: {  	_ =	shalt  }
0x79: {  	_ =	shalt  }
0x7a: {  	_ =	shalt  }
0x7b: {  	_ =	shalt  }
0x7c: {  	_ =	shalt  }
0x7d: {  	_ =	shalt  }
0x7e: {  	_ =	shalt  }
0x7f: {  	_ =	shalt  }
0x80: {  	_ =	shalt  }
0x81: {  	_ =	shalt  }
0x82: {  	_ =	shalt  }
0x83: {  	_ =	shalt  }
0x84: {  	_ =	shalt  }
0x85: {  	_ =	shalt  }
0x86: {  	_ =	shalt  }
0x87: {  	_ =	shalt  }
.Lfunc_end0:
.L_simem_size_0:
called_computation_lowered:
.L_overlay_start_0:
0x88: {  	s2 =	sld [smem:$0x3FD9]  }
0x89: {  	s3 =	sld [smem:$0x3FFE];
	_ =	sdelay $0x1  }
0x8a: {  	s1 =	srdreg.scid  }
0x8b: {  	s0 =	sand.u32 $0x1, s1  }
0x8c: {  	s17 =	sshll.u32 s0, $0xA;
	s2 =	sadd.s32 s3, s2  }
0x8d: {  	s2 =	sadd.s32 s2, s17  }
0x8e: {  	[smem:$0x3FC5] =	sst s2  }
0x8f: {  	_ = 	snop  }
0x90: {  	s2 =	sld [smem:$0x3FC8]  }
0x91: {  	s18 =	sld [smem:$0x3FC7]  }
0x92: {  	s4 =	sld [smem:$0x3FD0];
	(tm) =	ssettm $0x1  }
0x93: {  	s5 =	sld [smem:$0x3FFB];
	_ =	sdelay $0x3  }
0x94: {  	_ =	strace s5  }
0x95: {  	s5 =	sld [smem:$0x3FFC];
	_ =	sdelay $0x3  }
0x96: {  	_ =	strace s5  }
0x97: {  	s5 =	sld [smem:$0x3FFD];
	_ =	sdelay $0x3  }
0x98: {  	_ =	strace s5  }
0x99: {  	_ =	strace $0x8FFFFFFF  }
0x9a: {  	s19 =	sld [smem:$0x3FDB];
	_ =	sdelay $0x1  }
0x9b: {  	s6 =	simm.s32 $_scs_section_size  }
0x9c: {  	s7 =	simm.s32 $_size__tile_overlayer_lowered;
	s8 =	simm.s32 $_tile_overlayer_lowered  }
0x9d: {  	s22 =	simm.s32 $0x1BFF;
	s21 =	sshll.u32 s8, $0x1;
	s5 =	sadd.s32 s6, s19  }
0x9e: {  	s9 =	simm.s32 $0x0;
	s20 =	sshll.u32 s7, $0x1;
	s7 =	sadd.s32 s21, s5  }
0x9f: {  	[timem:s9], [sflag:s22] =	dma.local [hbm:s7], s20  }
0xa0: {  	_ =	swait.ge [sflag:s22], s20  }
0xa1: {  	s6 =	ssub.s32 $0x0, s20;
	[sflag:s22] =	ssyncset.done $0x0  }
0xa2: {  	[sflag:s22] =	ssyncadd.s32 s6;
	_ =	sdelay $0x1  }
0xa3: {  	s23 =	simm.s32 $0x1B8B  }
0xa4: {  	_ =	swait.ge [sflag:s23], $0x1  }
0xa5: {  	[sflag:s23] =	ssyncset.done $0x0  }
0xa6: {  	s25 =	simm.s32 $0x1B8E;
	s24 =	sld [smem:$0x3FFE];
	[sflag:s23] =	ssyncadd.s32 $0xFFFFFFFF  }
0xa7: {  	s26 =	simm.s32 $execute0_lowered;
	[smem:$0x3FD2] =	sst s25  }
0xa8: {  	s7 =	sshll.u32 s26, $0x1;
	_ =	strace $0x80000046;
	[dreg:$0x1] =	wrdreg $0xFFFFFFFF  }
0xa9: {  	s28 =	simm.s32 $_size_execute0_lowered;
	s5 =	sadd.s32 s5, s7;
	[dreg:$0x0] =	wrdreg $0x0  }
0xaa: {  	s7 =	sshll.u32 s28, $0x1;
	[dreg:$0x2] =	wrdreg s5  }
0xab: {  	[dreg:$0x3] =	wrdreg s7  }
0xac: {  	[dreg:$0x4] =	wrdreg $0xC0  }
0xad: {  	_ =	task [dreg:s9], $0x5FFFF  }
0xae: {  	[dreg:$0x1] =	wrdreg $0xFFFFFFFF  }
0xaf: {  	[dreg:$0x0] =	wrdreg $0x60  }
0xb0: {  	[dreg:$0x2] =	wrdreg s24  }
0xb1: {  	[dreg:$0x3] =	wrdreg s2  }
0xb2: {  	[dreg:$0x4] =	wrdreg s18  }
0xb3: {  	[dreg:$0x5] =	wrdreg s4  }
0xb4: {  	[dreg:$0x6] =	wrdreg $0x9  }
0xb5: {  	_ =	task.clear_ibuf [dreg:s9], $0x7FFFF;
	_ =	strace $0x90000046  }
0xb6: {  	s29 =	simm.s32 $0x9;
	_ =	strace $0x80000048  }
0xb7: {  	_ =	swait.ge [sflag:s29], $0x1  }
0xb8: {  	[sflag:s29] =	ssyncadd.s32 $0xFFFFFFFF  }
0xb9: {  	_ =	strace $0x90000048  }
0xba: {  	_ =	sfence  }
0xbb: {  	s30 =	sld [smem:$0x0];
	_ =	sdelay $0x2  }
0xbc: {  	s31 =	sshll.u32 s1, $0xD;
	s1 =	sshrl.u32 s1, $0x2  }
0xbd: {  	s3 =	sand.u32 $0x4000, s31;
	s1 =	sadd.s32 s1, s30  }
0xbe: {  	s0 =	sor.u32 s3, s0;
	s1 =	sshll.u32 s1, $0x11  }
0xbf: {  	s0 =	sor.u32 s1, s0  }
0xc0: {  	s0 =	sadd.s32 $0x8F2B, s0  }
0xc1: {  	[sflag:s0] =	ssyncadd.remote.s32 $0x1  }
0xc2: {  	_ =	sfence.sel $0xFFFF  }
0xc3: {  	[dreg:$0x0] =	wrdreg $0xFFFFFFFF;
	(pc) =	sbr.abs _section_cstart, $3  }
0xc4: {  	[dreg:$0x1] =	wrdreg $0xFFFFFFFF  }
0xc5: {  	_ =	task.clear_ibuf [dreg:s9], $0x2FFFF;
	_ =	strace $0x9FFFFFFF  }
0xc6: {  	(tm) =	ssettm $0x7FFFFFFF  }
0xc7: {  	_ =	shalt  }
tec
execute0_lowered:
.L_overlay_start_1:
0x0: {  	(tag) =	ssettag $0x1  }
0x1: {  	s5 =	stileid.u32  }
0x2: {  	s5 =	sand.u32 $0x1, s5  }
0x3: {  	p0 =	seq.s32 s5, $0x1  }
.Ltmp0:
0x4: {  	s1 =	rddreg [dreg:$0x0];
	(pc) =	sbr.rel @p0 .LBB2_6-.Ltmp0, $4  }
0x5: {  	s2 =	rddreg [dreg:$0x1]  }
0x6: {  	s3 =	rddreg [dreg:$0x2];
	s4 =	simm.s32 $0x0  }
0x7: {  	[smem:$0x7FF] =	sst s4  }
0x8: {  	s0 =	rddreg [dreg:$0x3];
	_ =	strace $0x80000047  }
0x9: {  	s5 =	srdreg.scid  }
0xa: {  	s13 =	stileid.u32;
	s1 =	sadd.s32 $0x400, s1;
	s14 =	simm.s32 $0x19400  }
0xb: {  	s15 =	simm.s32 $0x1;
	s16 =	simm.s32 $0x4;
	s17 =	simm.s32 $0x5  }
0xc: {  	s18 =	simm.s32 $0x6;
	s19 =	simm.s32 $0x80;
	s21 =	sshrl.u32 s13, $0x1  }
0xd: {  	s7 =	sand.u32 $0x1, s5;
	s20 =	sand.u32 $0xE, s13;
	s13 =	smul.u32 $0x190000, s21  }
0xe: {  	s29 =	simm.s32 $0x19E00;
	s5 =	sor.u32 s7, s20;
	s25 =	smul.u32 $0xC8000, s7  }
0xf: {  	s31 =	simm.s32 $0x1DE00;
	s11 =	ssub.s32 $0x2, s7;
	s6 =	smul.u32 $0x640000, s5  }
0x10: {  	s20 =	simm.s32 $0xD200;
	s21 =	simm.s32 $0x38;
	s9 =	smul.u32 $0x1900, s5  }
0x11: {  	s8 =	sshll.u32 s5, $0x8;
	s10 =	smul.u32 $0xC8000, s5;
	s23 =	sshrl.u32 s11, $0x1  }
0x12: {  	s8 =	sor.u32 $0x1, s8;
	s24 =	ssub.s32 s11, s23;
	s26 =	sadd.s32 s13, s0  }
0x13: {  	s13 =	simm.s32 $0x12E00;
	s6 =	sshrl.u32 s6, $0x3;
	s12 =	smul.u32 $0xC80, s8  }
0x14: {  	s7 =	smax.u32 s24, $0x1;
	s8 =	sadd.s32 s0, s10;
	s30 =	sadd.s32 s25, s26  }
.Ltmp1:
0x15: {  	s24 =	simm.s32 $0x13800;
	s26 =	simm.s32 $0x17800;
	(pc) =	sbr.rel .LBB2_2-.Ltmp1, $4  }
0x16: {  	s25 =	simm.s32 $0x3;
	s6 =	sadd.s32 s0, s6;
	s10 =	sadd.s32 $0x1900, s8  }
0x17: {  	s28 =	sadd.s32 $0x2580, s30;
	s22 =	sadd.s32 $0xC7380, s6;
	s6 =	sadd.s32 s1, s9  }
0x18: {  	s9 =	sadd.s32 s0, s12;
	s12 =	simm.s32 $0xC800;
	s0 =	simm.s32 $0x2  }
0x19: {  	s1 =	simm.s32 $0x0;
	[dreg:$0x5] =	wrdreg s22;
	s22 =	simm.s32 $0x11200  }
.LBB2_5:
0x1a: {  	_ =	swait.ge [sflag:s15], $0x4000  }
0x1b: {  	[sflag:s15] =	ssyncset.done $0x0  }
0x1c: {  	[sflag:s15] =	ssyncadd.s32 $0xFFFFC000  }
0x1d: {  	_ =	swait.ge [sflag:s15], $0x1C00  }
0x1e: {  	[sflag:s15] =	ssyncset.done $0x0  }
0x1f: {  	s5 =	rddreg [dreg:$0x5];
	[sflag:s15] =	ssyncadd.s32 $0xFFFFE400  }
0x20: {  	[hbm4b:s5+s4] =	stream.linear.scatter [tilespmem:s12], [sflag:$0x4], $0x6400, $0x38;
	[tilespmem:$0x1FA00] =	vst v63  }
0x21: {  	_ =	swait.ge [sflag:s17], $0x6400  }
0x22: {  	[sflag:s17] =	ssyncset.done $0x0  }
0x23: {  	s1 =	sadd.s32 $0x1, s1;
	[sflag:s17] =	ssyncadd.s32 $0xFFFF9C00  }
0x24: {  	p0 =	sne.s32 s1, s7;
	_ =	swait.ge [sflag:s18], $0x6400  }
.Ltmp2:
0x25: {  	[sflag:s18] =	ssyncset.done $0x0;
	(pc) =	sbr.rel @!p0 .LBB2_6-.Ltmp2, $4  }
0x26: {  	[sflag:s18] =	ssyncadd.s32 $0xFFFF9C00  }
0x27: {  	_ =	swait.ge [sflag:s16], $0x6400  }
0x28: {  	[sflag:s16] =	ssyncset.done $0x0  }
0x29: {  	[sflag:s16] =	ssyncadd.s32 $0xFFFF9C00  }
.LBB2_2:
0x2a: {  	s23 =	simm.s32 $0x0  }
0x2b: {  	[tilespmem:s23], [sflag:$0x1] =	stream.linear.gather [hbm4b:s6+s23], $0xC800, $0x38;
	[tilespmem:$0x1FA00] =	vst v63  }
0x2c: {  	_ = 	snop  }
0x2d: {  	[tilespmem:s12], [sflag:$0x4] =	stream.linear.gather [hbm4b:s3+s23], $0xA00, $0x38;
	[tilespmem:$0x1FA00] =	vst v63  }
0x2e: {  	_ = 	snop  }
0x2f: {  	[tilespmem:s13], [sflag:$0x5] =	stream.linear.gather [hbm4b:s3+s23], $0xA00, $0x38;
	[tilespmem:$0x1FA00] =	vst v63  }
0x30: {  	_ = 	snop  }
0x31: {  	[tilespmem:s14], [sflag:$0x6] =	stream.linear.gather [hbm4b:s3+s23], $0xA00, $0x38;
	[tilespmem:$0x1FA00] =	vst v63  }
0x32: {  	_ =	swait.ge [sflag:s15], $0xC800  }
0x33: {  	[sflag:s15] =	ssyncset.done $0x0  }
0x34: {  	[sflag:s15] =	ssyncadd.s32 $0xFFFF3800  }
0x35: {  	_ =	swait.ge [sflag:s16], $0xA00  }
0x36: {  	[sflag:s16] =	ssyncset.done $0x0  }
0x37: {  	[sflag:s16] =	ssyncadd.s32 $0xFFFFF600  }
0x38: {  	_ =	swait.ge [sflag:s17], $0xA00  }
0x39: {  	[sflag:s17] =	ssyncset.done $0x0  }
0x3a: {  	[sflag:s17] =	ssyncadd.s32 $0xFFFFF600  }
0x3b: {  	_ =	swait.ge [sflag:s18], $0xA00  }
0x3c: {  	[sflag:s18] =	ssyncset.done $0x0  }
0x3d: {  	[sflag:s18] =	ssyncadd.s32 $0xFFFFF600  }
0x3e: {  	[tilespmem:s20], [sflag:$0x1] =	stream.indirect.gather [hbm4b:s2+s19], $0x80, s23, s19, $0xb8;
	[tilespmem:$0x1FA00] =	vst v63  }
0x3f: {  	_ = 	snop  }
0x40: {  	[tilespmem:s22], [sflag:$0x1] =	stream.indirect.gather [hbm4b:s2+s21], $0x80, s19, s21, $0xb8;
	[tilespmem:$0x1FA00] =	vst v63  }
0x41: {  	s5 =	simm.s32 $0xC8  }
0x42: {  	[tilespmem:s24], [sflag:$0x2] =	stream.indirect.gather [hbm4b:s2+s19], $0x80, s5, s19, $0xb8;
	[tilespmem:$0x1FA00] =	vst v63  }
0x43: {  	s30 =	simm.s32 $0x148  }
0x44: {  	[tilespmem:s26], [sflag:$0x2] =	stream.indirect.gather [hbm4b:s2+s21], $0x80, s30, s21, $0xb8;
	[tilespmem:$0x1FA00] =	vst v63  }
0x45: {  	_ =	swait.ge [sflag:s15], $0x4000  }
0x46: {  	[sflag:s15] =	ssyncset.done $0x0  }
0x47: {  	[sflag:s15] =	ssyncadd.s32 $0xFFFFC000  }
0x48: {  	_ =	swait.ge [sflag:s15], $0x1C00  }
0x49: {  	[sflag:s15] =	ssyncset.done $0x0  }
0x4a: {  	[sflag:s15] =	ssyncadd.s32 $0xFFFFE400  }
0x4b: {  	[hbm4b:s8+s23] =	stream.linear.scatter [tilespmem:s12], [sflag:$0x4], $0x6400, $0x38;
	[tilespmem:$0x1FA00] =	vst v63  }
0x4c: {  	s11 =	simm.s32 $0x190  }
0x4d: {  	[tilespmem:s29], [sflag:$0x3] =	stream.indirect.gather [hbm4b:s2+s19], $0x80, s11, s19, $0xb8;
	[tilespmem:$0x1FA00] =	vst v63  }
0x4e: {  	s30 =	simm.s32 $0x210  }
0x4f: {  	[tilespmem:s31], [sflag:$0x3] =	stream.indirect.gather [hbm4b:s2+s21], $0x80, s30, s21, $0xb8;
	[tilespmem:$0x1FA00] =	vst v63  }
0x50: {  	_ =	swait.ge [sflag:s0], $0x4000  }
0x51: {  	[sflag:s0] =	ssyncset.done $0x0  }
0x52: {  	[sflag:s0] =	ssyncadd.s32 $0xFFFFC000  }
0x53: {  	_ =	swait.ge [sflag:s0], $0x1C00  }
0x54: {  	[sflag:s0] =	ssyncset.done $0x0  }
0x55: {  	[sflag:s0] =	ssyncadd.s32 $0xFFFFE400  }
0x56: {  	[hbm4b:s9+s23] =	stream.linear.scatter [tilespmem:s13], [sflag:$0x5], $0x6400, $0x38;
	[tilespmem:$0x1FA00] =	vst v63  }
0x57: {  	_ =	swait.ge [sflag:s16], $0x6400  }
0x58: {  	[sflag:s16] =	ssyncset.done $0x0  }
0x59: {  	s11 =	simm.s32 $0x258;
	[sflag:s16] =	ssyncadd.s32 $0xFFFF9C00  }
0x5a: {  	[tilespmem:s20], [sflag:$0x1] =	stream.indirect.gather [hbm4b:s2+s19], $0x80, s11, s19, $0xb8;
	[tilespmem:$0x1FA00] =	vst v63  }
0x5b: {  	s30 =	simm.s32 $0x2D8  }
0x5c: {  	[tilespmem:s22], [sflag:$0x1] =	stream.indirect.gather [hbm4b:s2+s21], $0x80, s30, s21, $0xb8;
	[tilespmem:$0x1FA00] =	vst v63  }
0x5d: {  	_ =	swait.ge [sflag:s25], $0x4000  }
0x5e: {  	[sflag:s25] =	ssyncset.done $0x0  }
0x5f: {  	[sflag:s25] =	ssyncadd.s32 $0xFFFFC000  }
0x60: {  	_ =	swait.ge [sflag:s25], $0x1C00  }
0x61: {  	[sflag:s25] =	ssyncset.done $0x0  }
0x62: {  	[sflag:s25] =	ssyncadd.s32 $0xFFFFE400  }
0x63: {  	[hbm4b:s10+s23] =	stream.linear.scatter [tilespmem:s14], [sflag:$0x6], $0x6400, $0x38;
	[tilespmem:$0x1FA00] =	vst v63  }
0x64: {  	_ =	swait.ge [sflag:s17], $0x6400  }
0x65: {  	[sflag:s17] =	ssyncset.done $0x0  }
0x66: {  	s11 =	simm.s32 $0x320;
	[sflag:s17] =	ssyncadd.s32 $0xFFFF9C00  }
0x67: {  	[tilespmem:s24], [sflag:$0x2] =	stream.indirect.gather [hbm4b:s2+s19], $0x80, s11, s19, $0xb8;
	[tilespmem:$0x1FA00] =	vst v63  }
0x68: {  	s30 =	simm.s32 $0x3A0;
	s11 =	smov.u32 s28  }
0x69: {  	[tilespmem:s26], [sflag:$0x2] =	stream.indirect.gather [hbm4b:s2+s21], $0x80, s30, s21, $0xb8;
	[tilespmem:$0x1FA00] =	vst v63  }
.LBB2_3:
0x6a: {  	_ =	swait.ge [sflag:s15], $0x4000  }
0x6b: {  	[sflag:s15] =	ssyncset.done $0x0  }
0x6c: {  	[sflag:s15] =	ssyncadd.s32 $0xFFFFC000  }
0x6d: {  	_ =	swait.ge [sflag:s15], $0x1C00  }
0x6e: {  	[sflag:s15] =	ssyncset.done $0x0  }
0x6f: {  	[sflag:s15] =	ssyncadd.s32 $0xFFFFE400  }
0x70: {  	[hbm4b:s11+s4] =	stream.linear.scatter [tilespmem:s12], [sflag:$0x4], $0x6400, $0x38;
	[tilespmem:$0x1FA00] =	vst v63  }
0x71: {  	_ =	swait.ge [sflag:s18], $0x6400  }
0x72: {  	s30 =	sshra.s32 s23, $0x2;
	[sflag:s18] =	ssyncset.done $0x0  }
0x73: {  	s5 =	sadd.s32 $0x3E8, s30;
	[sflag:s18] =	ssyncadd.s32 $0xFFFF9C00  }
0x74: {  	[tilespmem:s29], [sflag:$0x3] =	stream.indirect.gather [hbm4b:s2+s19], $0x80, s5, s19, $0xb8;
	[tilespmem:$0x1FA00] =	vst v63  }
0x75: {  	s5 =	sadd.s32 $0x468, s30  }
0x76: {  	[tilespmem:s31], [sflag:$0x3] =	stream.indirect.gather [hbm4b:s2+s21], $0x80, s5, s21, $0xb8;
	[tilespmem:$0x1FA00] =	vst v63  }
0x77: {  	_ =	swait.ge [sflag:s0], $0x4000  }
0x78: {  	[sflag:s0] =	ssyncset.done $0x0  }
0x79: {  	[sflag:s0] =	ssyncadd.s32 $0xFFFFC000  }
0x7a: {  	_ =	swait.ge [sflag:s0], $0x1C00  }
0x7b: {  	[sflag:s0] =	ssyncset.done $0x0  }
0x7c: {  	s5 =	sadd.s32 $0xC80, s11;
	[sflag:s0] =	ssyncadd.s32 $0xFFFFE400  }
0x7d: {  	[hbm4b:s5+s4] =	stream.linear.scatter [tilespmem:s13], [sflag:$0x5], $0x6400, $0x38;
	[tilespmem:$0x1FA00] =	vst v63  }
0x7e: {  	_ =	swait.ge [sflag:s16], $0x6400  }
0x7f: {  	[sflag:s16] =	ssyncset.done $0x0  }
0x80: {  	s5 =	sadd.s32 $0x4B0, s30;
	[sflag:s16] =	ssyncadd.s32 $0xFFFF9C00  }
0x81: {  	[tilespmem:s20], [sflag:$0x1] =	stream.indirect.gather [hbm4b:s2+s19], $0x80, s5, s19, $0xb8;
	[tilespmem:$0x1FA00] =	vst v63  }
0x82: {  	s5 =	sadd.s32 $0x530, s30  }
0x83: {  	[tilespmem:s22], [sflag:$0x1] =	stream.indirect.gather [hbm4b:s2+s21], $0x80, s5, s21, $0xb8;
	[tilespmem:$0x1FA00] =	vst v63  }
0x84: {  	_ =	swait.ge [sflag:s25], $0x4000  }
0x85: {  	p0 =	seq.s32 s23, $0x30A20;
	[sflag:s25] =	ssyncset.done $0x0  }
.Ltmp3:
0x86: {  	[sflag:s25] =	ssyncadd.s32 $0xFFFFC000;
	(pc) =	sbr.rel @p0 .LBB2_5-.Ltmp3, $4  }
0x87: {  	_ =	swait.ge [sflag:s25], $0x1C00  }
0x88: {  	[sflag:s25] =	ssyncset.done $0x0  }
0x89: {  	s5 =	sadd.s32 $0x1900, s11;
	[sflag:s25] =	ssyncadd.s32 $0xFFFFE400  }
0x8a: {  	[hbm4b:s5+s4] =	stream.linear.scatter [tilespmem:s14], [sflag:$0x6], $0x6400, $0x38;
	[tilespmem:$0x1FA00] =	vst v63  }
0x8b: {  	_ =	swait.ge [sflag:s17], $0x6400  }
.Ltmp4:
0x8c: {  	[sflag:s17] =	ssyncset.done $0x0;
	(pc) =	sbr.rel .LBB2_3-.Ltmp4, $4  }
0x8d: {  	s5 =	sadd.s32 $0x578, s30;
	[sflag:s17] =	ssyncadd.s32 $0xFFFF9C00  }
0x8e: {  	[tilespmem:s24], [sflag:$0x2] =	stream.indirect.gather [hbm4b:s2+s19], $0x80, s5, s19, $0xb8;
	[tilespmem:$0x1FA00] =	vst v63  }
0x8f: {  	s30 =	sadd.s32 $0x5F8, s30;
	s23 =	sadd.s32 $0x960, s23;
	s11 =	sadd.s32 $0x2580, s11  }
0x90: {  	[tilespmem:s26], [sflag:$0x2] =	stream.indirect.gather [hbm4b:s2+s21], $0x80, s30, s21, $0xb8;
	[tilespmem:$0x1FA00] =	vst v63  }
.LBB2_6:
0x91: {  	_ =	sfence.sel $0x180000  }
0x92: {  	[bflag:$0x0] =	sbarrier.arrive $0xFFFF  }
0x93: {  	_ =	strace $0x90000047  }
0x94: {  	s0 =	stileid.u32;
	[bflag:$0x2] =	sbarrier.arrive $0xFFFF  }
0x95: {  	p0 =	sne.s32 s0, $0x0;
	s0 =	rddreg [dreg:$0x4]  }
0x96: {  	s0 =	sadd.s32 @!p0 $0x100000, s0  }
0x97: {  	[sflag:s0] =	ssyncadd.tile.s32 @!p0 $0x1;
	_ =	shalt  }
.Lfunc_end2:
_tile_overlayer_lowered:
.L_overlay_start_2:
0x98: {  	(tag) =	ssettag $0x2  }
0x99: {  	s0 =	rddreg [dreg:$0x0];
	s2 =	stileid.u32  }
0x9a: {  	s1 =	rddreg [dreg:$0x1];
	p0 =	sne.s32 s2, $0x0  }
0x9b: {  	s3 =	rddreg [dreg:$0x2];
	[bflag:$0x3] =	sbarrier.arrive $0xFFFF;
	s2 =	simm.s32 @!p0 $0x1C07  }
0x9c: {  	[timem:s3], [sflag:s2] =	dma.local @!p0 [hbm:s0], s1  }
0x9d: {  	s0 =	simm.s32 @!p0 $0x7  }
0x9e: {  	_ =	swait.ge @!p0 [sflag:s0], s1  }
0x9f: {  	s1 =	ssub.s32 @!p0 $0x0, s1;
	[sflag:s0] =	ssyncset.done @!p0 $0x0  }
0xa0: {  	[sflag:s0] =	ssyncadd.s32 @!p0 s1  }
0xa1: {  	[bflag:$0x3] =	sbarrier.arrive $0xFFFF  }
0xa2: {  	_ =	shalt  }

</sc_bundles>
